<compile_context>
chip_gen: v7x
topology: tpu7x:2x2x1
jax: 0.10.2.dev20260603
libtpu: 0.0.44.dev20260713+nightly
codegen_flags: <defaults>
</compile_context>

<pallas_src>
import functools

import jax
import jax.numpy as jnp
from jax import lax
from jax.experimental import pallas as pl
from jax.experimental.pallas import tpu as pltpu
from jax.experimental.pallas import tpu_sc as plsc

N = 4096
K = 16
DT = 48
NQ = 256
NBQ = 256
SC_CHUNK = 128


def _topk_body(q_ref, k_ref, idx_ref):
    p = pl.program_id(0)
    q = q_ref[0]
    kx = k_ref[0]
    qk = lax.dot_general(q, kx, (((1,), (1,)), ((), ())),
                         preferred_element_type=jnp.float32)
    d = -2.0 * qk
    d = d + jnp.sum(q * q, axis=1, keepdims=True)
    d = d + jnp.sum(kx * kx, axis=1)[None, :]
    iota = lax.broadcasted_iota(jnp.int32, (1, N), 1)
    cols = []
    for _ in range(K):
        m = jnp.min(d, axis=1, keepdims=True)
        cand = jnp.where(d <= m, iota, jnp.int32(N))
        idx = jnp.min(cand, axis=1, keepdims=True)
        cols.append(idx)
        d = jnp.where(iota == idx, jnp.float32(jnp.inf), d)
    idx_ref[0] = jnp.concatenate(cols, axis=1) + p * N


def _run_topk(queries, keys, num_pairs):
    grid = (num_pairs, N // NQ)
    return pl.pallas_call(
        _topk_body,
        grid=grid,
        in_specs=[
            pl.BlockSpec((1, NQ, 3), lambda p, i: (p, i, 0)),
            pl.BlockSpec((1, N, 3), lambda p, i: (p, 0, 0)),
        ],
        out_specs=pl.BlockSpec((1, NQ, K), lambda p, i: (p, i, 0)),
        out_shape=jax.ShapeDtypeStruct((num_pairs, N, K), jnp.int32),
    )(queries, keys)


def _sc_gather_body(nchunks, rpw, table_hbm, idx_hbm, out_hbm,
                    idx_v, buf_v, sem):
    wid = lax.axis_index("s") * 2 + lax.axis_index("c")
    base = wid * rpw

    def step(i, carry):
        off = base + i * SC_CHUNK
        pltpu.sync_copy(idx_hbm.at[pl.ds(off, SC_CHUNK)], idx_v)
        pltpu.async_copy(table_hbm.at[idx_v], buf_v, sem).wait()
        pltpu.sync_copy(buf_v, out_hbm.at[pl.ds(off, SC_CHUNK)])
        return carry

    lax.fori_loop(0, nchunks, step, 0)


def _run_sc_gather(table, idx_flat):
    num_rows = idx_flat.shape[0]
    rpw = num_rows // 32
    nchunks = rpw // SC_CHUNK
    mesh = plsc.VectorSubcoreMesh(core_axis_name="c", subcore_axis_name="s")
    kern = pl.kernel(
        functools.partial(_sc_gather_body, nchunks, rpw),
        out_type=jax.ShapeDtypeStruct((num_rows, DT), jnp.float32),
        mesh=mesh,
        scratch_types=[
            pltpu.VMEM((SC_CHUNK,), jnp.int32),
            pltpu.VMEM((SC_CHUNK, DT), jnp.float32),
            pltpu.SemaphoreType.DMA,
        ],
        compiler_params=pltpu.CompilerParams(use_tc_tiling_on_sc=False),
    )
    return kern(table, idx_flat)


def _agg_body(g_ref, qrep_ref, p1_ref, w0t_ref, b0_ref, w1t_ref, b1_ref,
              w2t_ref, b2_ref, lwt_ref, lb_ref, out_ref):
    R = NBQ * K
    f32 = jnp.float32

    def mm(a, b):
        return lax.dot_general(a, b, (((1,), (0,)), ((), ())),
                               preferred_element_type=f32)

    dir_ = g_ref[:, 0:3] - qrep_ref[...]
    h = jnp.maximum(mm(dir_, w0t_ref[...]) + b0_ref[...], 0.0)
    h = jnp.maximum(mm(h, w1t_ref[...]) + b1_ref[...], 0.0)
    w = jnp.maximum(mm(h, w2t_ref[...]) + b2_ref[...], 0.0)

    j32 = lax.broadcasted_iota(jnp.int32, (32, 512), 1)
    r32 = lax.broadcasted_iota(jnp.int32, (32, 512), 0)
    rep = jnp.where((j32 >> 4) == r32, f32(1.0), f32(0.0))
    j16 = lax.broadcasted_iota(jnp.int32, (16, 512), 1)
    r16 = lax.broadcasted_iota(jnp.int32, (16, 512), 0)
    til = jnp.where((j16 & 15) == r16, f32(1.0), f32(0.0))

    s = jnp.sum(w.reshape(NBQ, K, 16), axis=1)
    out1 = mm(p1_ref[...], rep) * mm(s, til)

    feats = g_ref[:, 3:35]
    pp = mm(feats, rep) * mm(w, til)
    out2 = jnp.sum(pp.reshape(NBQ, K, 512), axis=1)

    lwt = lwt_ref[...]
    res = mm(out1, lwt[0:512]) + mm(out2, lwt[512:1024]) + lb_ref[...]
    out_ref[...] = jnp.where(res >= 0.0, res, 0.1 * res)


def _run_agg(g, qrep, p1, wn, lwt, lb, num_pairs):
    w0t, b0, w1t, b1, w2t, b2 = wn
    nblocks = N // NBQ
    grid = (num_pairs * nblocks,)
    R = NBQ * K

    def rows(i):
        return (i, 0)

    def const(i):
        return (0, 0)

    return pl.pallas_call(
        _agg_body,
        grid=grid,
        in_specs=[
            pl.BlockSpec((R, DT), rows),
            pl.BlockSpec((R, 3), rows),
            pl.BlockSpec((NBQ, 32), rows),
            pl.BlockSpec((3, 8), const),
            pl.BlockSpec((1, 8), const),
            pl.BlockSpec((8, 8), const),
            pl.BlockSpec((1, 8), const),
            pl.BlockSpec((8, 16), const),
            pl.BlockSpec((1, 16), const),
            pl.BlockSpec((1024, 32), const),
            pl.BlockSpec((1, 32), const),
        ],
        out_specs=pl.BlockSpec((NBQ, 32), rows),
        out_shape=jax.ShapeDtypeStruct((num_pairs * N, 32), jnp.float32),
    )(g, qrep, p1, w0t, b0, w1t, b1, w2t, b2, lwt, lb)


def kernel(pc1, pc2, feat1, feat2, wn1_w0, wn1_b0, wn1_w1, wn1_b1, wn1_w2,
           wn1_b2, lin1_w, lin1_b, wn2_w0, wn2_b0, wn2_w1, wn2_b1, wn2_w2,
           wn2_b2, lin2_w, lin2_b):
    x1 = jnp.transpose(pc1, (0, 2, 1))
    x2 = jnp.transpose(pc2, (0, 2, 1))
    f1 = jnp.transpose(feat1, (0, 2, 1))
    f2 = jnp.transpose(feat2, (0, 2, 1))

    queries = jnp.concatenate([x1, x2], axis=0)
    keyss = jnp.concatenate([x2, x1], axis=0)
    knn = _run_topk(queries, keyss, 4)
    idx_flat = knn.reshape(4 * N * K)

    pad = ((0, 0), (0, DT - 35))
    tbl12 = jnp.pad(
        jnp.concatenate([
            jnp.concatenate([x2, f2], axis=-1).reshape(2 * N, 35),
            jnp.concatenate([x1, f1], axis=-1).reshape(2 * N, 35),
        ], axis=0), pad)
    g12 = _run_sc_gather(tbl12, idx_flat)

    qflat = queries.reshape(4 * N, 3)
    qrep = jnp.repeat(qflat, K, axis=0)
    p1s = jnp.concatenate([f1, f2], axis=0).reshape(4 * N, 32)

    wn1 = (wn1_w0.T, wn1_b0[None, :], wn1_w1.T, wn1_b1[None, :],
           wn1_w2.T, wn1_b2[None, :])
    wn2 = (wn2_w0.T, wn2_b0[None, :], wn2_w1.T, wn2_b1[None, :],
           wn2_w2.T, wn2_b2[None, :])

    out12 = _run_agg(g12, qrep, p1s, wn1, lin1_w.T, lin1_b[None, :], 4)
    f1n = out12[:2 * N]
    f2n = out12[2 * N:]

    tbl3 = jnp.pad(
        jnp.concatenate([x2.reshape(2 * N, 3), f2n], axis=-1), pad)
    g3 = _run_sc_gather(tbl3, idx_flat[:2 * N * K])
    out3 = _run_agg(g3, qrep[:2 * N * K], f1n, wn2, lin2_w.T,
                    lin2_b[None, :], 2)

    feat1_new = jnp.transpose(f1n.reshape(2, N, 32), (0, 2, 1))
    feat2_new = jnp.transpose(f2n.reshape(2, N, 32), (0, 2, 1))
    feat1_final = jnp.transpose(out3.reshape(2, N, 32), (0, 2, 1))
    return (feat1_new, feat2_new, feat1_final)

# --- scband reference (transcript-rebuilt; emitter-appended) ---
"""Pipeline reference for scband-cross-conv-layer-51170240364937 (READ-ONLY COPY).

The authoritative reference and input builder live on the scoring server;
editing this copy changes nothing except your own understanding.
"""

import jax, jax.numpy as jnp
import numpy as np

NSAMPLE = 16
IN_CH = 32
MID_CH = 32
OUT_CH = 32
WN = 16
B = 2
N = 4096


def _wn_apply(x, params):
    # x: [B, C, K, N1]; 1x1 Conv2d stack with ReLU
    for w, b in params:
        x = jax.nn.relu(jnp.einsum('bckn,oc->bokn', x, w) + b[None, :, None, None])
    return x


def _cross(xyz1, xyz2, points1, points2, wn_params, lw, lb):
    Bb = xyz1.shape[0]
    x1 = jnp.transpose(xyz1, (0, 2, 1))  # [B, N1, 3]
    x2 = jnp.transpose(xyz2, (0, 2, 1))  # [B, N2, 3]
    p1 = jnp.transpose(points1, (0, 2, 1))  # [B, N1, D1]
    p2 = jnp.transpose(points2, (0, 2, 1))  # [B, N2, D2]
    dist = -2.0 * jnp.matmul(x1, jnp.transpose(x2, (0, 2, 1)))
    dist = dist + jnp.sum(x1 ** 2, -1)[:, :, None] + jnp.sum(x2 ** 2, -1)[:, None, :]
    _, knn_idx = jax.lax.top_k(-dist, NSAMPLE)  # [B, N1, K] smallest distances
    bidx = jnp.arange(Bb)[:, None, None]
    neighbor_xyz = x2[bidx, knn_idx]  # [B, N1, K, 3]
    direction = neighbor_xyz - x1[:, :, None, :]
    gp2 = p2[bidx, knn_idx]  # [B, N1, K, D2]
    N1 = p1.shape[1]
    gp1 = jnp.broadcast_to(p1[:, :, None, :], (Bb, N1, NSAMPLE, p1.shape[2]))
    grouped_xyz = jnp.transpose(direction, (0, 3, 2, 1))  # [B, 3, K, N1]
    new_points = jnp.concatenate([gp1, gp2], axis=-1)  # [B, N1, K, 2D]
    weights = _wn_apply(grouped_xyz, wn_params)  # [B, WN, K, N1]
    np_ = jnp.transpose(new_points, (0, 1, 3, 2))  # [B, N1, 2D, K]
    w_ = jnp.transpose(weights, (0, 3, 2, 1))  # [B, N1, K, WN]
    out = jnp.matmul(np_, w_).reshape(Bb, N1, -1)  # [B, N1, 2D*WN]
    out = out @ lw.T + lb
    out = jnp.transpose(out, (0, 2, 1))  # [B, C_out, N1]
    return jax.nn.leaky_relu(out, 0.1)


def setup_inputs(seed: int = 0):
    key = jax.random.key(seed)
    ks = jax.random.split(key, 12)
    inp = {}
    inp['pc1'] = jax.random.normal(ks[0], (B, 3, N), dtype=jnp.float32)
    inp['pc2'] = jax.random.normal(ks[1], (B, 3, N), dtype=jnp.float32)
    inp['feat1'] = jax.random.normal(ks[2], (B, IN_CH, N), dtype=jnp.float32)
    inp['feat2'] = jax.random.normal(ks[3], (B, IN_CH, N), dtype=jnp.float32)

    def mk(k, shape, fan_in):
        return jax.random.normal(k, shape, dtype=jnp.float32) * (1.0 / np.sqrt(fan_in))

    inp['wn1_w0'] = mk(ks[4], (8, 3), 3)
    inp['wn1_b0'] = jnp.zeros((8,), jnp.float32)
    inp['wn1_w1'] = mk(ks[5], (8, 8), 8)
    inp['wn1_b1'] = jnp.zeros((8,), jnp.float32)
    inp['wn1_w2'] = mk(ks[6], (WN, 8), 8)
    inp['wn1_b2'] = jnp.zeros((WN,), jnp.float32)
    inp['lin1_w'] = mk(ks[7], (MID_CH, WN * IN_CH * 2), WN * IN_CH * 2)
    inp['lin1_b'] = jnp.zeros((MID_CH,), jnp.float32)
    inp['wn2_w0'] = mk(ks[8], (8, 3), 3)
    inp['wn2_b0'] = jnp.zeros((8,), jnp.float32)
    inp['wn2_w1'] = mk(ks[9], (8, 8), 8)
    inp['wn2_b1'] = jnp.zeros((8,), jnp.float32)
    inp['wn2_w2'] = mk(ks[10], (WN, 8), 8)
    inp['wn2_b2'] = jnp.zeros((WN,), jnp.float32)
    inp['lin2_w'] = mk(ks[11], (OUT_CH, WN * MID_CH * 2), WN * MID_CH * 2)
    inp['lin2_b'] = jnp.zeros((OUT_CH,), jnp.float32)
    return inp


def reference(pc1, pc2, feat1, feat2, wn1_w0, wn1_b0, wn1_w1, wn1_b1, wn1_w2, wn1_b2, lin1_w, lin1_b, wn2_w0, wn2_b0, wn2_w1, wn2_b1, wn2_w2, wn2_b2, lin2_w, lin2_b):
    wn1 = [(wn1_w0, wn1_b0), (wn1_w1, wn1_b1), (wn1_w2, wn1_b2)]
    wn2 = [(wn2_w0, wn2_b0), (wn2_w1, wn2_b1), (wn2_w2, wn2_b2)]
    feat1_new = _cross(pc1, pc2, feat1, feat2, wn1, lin1_w, lin1_b)
    feat2_new = _cross(pc2, pc1, feat2, feat1, wn1, lin1_w, lin1_b)
    feat1_final = _cross(pc1, pc2, feat1_new, feat2_new, wn2, lin2_w, lin2_b)
    return (feat1_new, feat2_new, feat1_final)

if __name__ == "__main__":
    import jax
    _d = setup_inputs()
    print(jax.jit(kernel)(*tuple(_d.values())))

</pallas_src>

<mosaic_0001>
#map = affine_map<(d0, d1) -> (0, 0)>
#map1 = affine_map<(d0, d1) -> (0)>
module attributes {stable_mosaic.version = 14 : i64} {
  func.func @_sc_gather_body(%arg0: i32, %arg1: i32, %arg2: memref<16384x48xf32, #tpu.memory_space<hbm>>, %arg3: memref<262144xi32, #tpu.memory_space<hbm>>, %arg4: memref<262144x48xf32, #tpu.memory_space<hbm>>, %arg5: memref<128xi32, #tpu.memory_space<vmem>>, %arg6: memref<128x48xf32, #tpu.memory_space<vmem>>, %arg7: memref<!tpu.dma_semaphore, #tpu.memory_space<semaphore_mem>>) attributes {dimension_semantics = [#tpu.dimension_semantics<core_parallel>, #tpu.dimension_semantics<subcore_parallel>], iteration_bounds = array<i64: 2, 16>, scalar_prefetch = 0 : i64, scratch_operands = 3 : i64, tpu.core_type = #tpu.core_type<sc_vector_subcore>, window_params = [{transform_indices = #map}, {transform_indices = #map1}, {transform_indices = #map}]} {
    %mul3A = arith.constant 2 : i32
    %mul3A_0 = arith.muli %arg1, %mul3A : i32
    %add3A = arith.addi %mul3A_0, %arg0 : i32
    %mul3A_1 = arith.constant 8192 : i32
    %mul3A_2 = arith.muli %add3A, %mul3A_1 : i32
    %scan3A = arith.constant 0 : i32
    %scan3A_3 = arith.constant 0 : i32
    %scan3A_4 = arith.constant 64 : i32
    %scan3A_5 = arith.addi %scan3A_3, %scan3A_4 : i32
    %scan3A_6 = arith.constant 1 : i32
    scf.for %scan3A_8 = %scan3A_3 to %scan3A_5 step %scan3A_6  : i32 {
      %mul3A_9 = arith.constant 128 : i32
      %mul3A_10 = arith.muli %scan3A_8, %mul3A_9 : i32
      %add3A_11 = arith.addi %mul3A_2, %mul3A_10 : i32
      "tpu.region"() ({
        %run_scoped3A = tpu.sem_alloc : memref<!tpu.dma_semaphore, #tpu.memory_space<semaphore_mem>>
        %dma_start3A_16 = tpu.memref_slice %arg3[%add3A_11] : memref<262144xi32, #tpu.memory_space<hbm>> -> memref<128xi32, #tpu.memory_space<hbm>>
        %dma_start3A_17 = tpu.memref_slice %arg3[%add3A_11] : memref<262144xi32, #tpu.memory_space<hbm>> -> memref<128xi32, #tpu.memory_space<hbm>>
        tpu.enqueue_dma source(%dma_start3A_17 : memref<128xi32, #tpu.memory_space<hbm>>) target(%arg5 : memref<128xi32, #tpu.memory_space<vmem>>) target_semaphore(%run_scoped3A : memref<!tpu.dma_semaphore, #tpu.memory_space<semaphore_mem>>)
        %dma_wait3A_18 = tpu.memref_slice %arg3[%add3A_11] : memref<262144xi32, #tpu.memory_space<hbm>> -> memref<128xi32, #tpu.memory_space<hbm>>
        %dma_wait3A_19 = tpu.memref_slice %arg3[%add3A_11] : memref<262144xi32, #tpu.memory_space<hbm>> -> memref<128xi32, #tpu.memory_space<hbm>>
        tpu.wait_dma2 semaphore(%run_scoped3A : memref<!tpu.dma_semaphore, #tpu.memory_space<semaphore_mem>>) src(%dma_wait3A_19 : memref<128xi32, #tpu.memory_space<hbm>>) dst(%arg5 : memref<128xi32, #tpu.memory_space<vmem>>)
        tpu.yield
      }) : () -> ()
      %dma_start3A = arith.constant 0 : i32
      %dma_start3A_12 = arith.constant 0 : i32
      %dma_start3A_13 = tpu.memref_slice %arg2[%dma_start3A, %dma_start3A_12] : memref<16384x48xf32, #tpu.memory_space<hbm>> -> memref<16384x48xf32, #tpu.memory_space<hbm>>
      tpu.enqueue_indirect_dma source(%dma_start3A_13 : memref<16384x48xf32, #tpu.memory_space<hbm>>) target(%arg6 : memref<128x48xf32, #tpu.memory_space<vmem>>) offsets(%arg5 : memref<128xi32, #tpu.memory_space<vmem>>) semaphore(%arg7 : memref<!tpu.dma_semaphore, #tpu.memory_space<semaphore_mem>>)
      %dma_wait3A = arith.constant 0 : i32
      %dma_wait3A_14 = arith.constant 0 : i32
      %dma_wait3A_15 = tpu.memref_slice %arg2[%dma_wait3A, %dma_wait3A_14] : memref<16384x48xf32, #tpu.memory_space<hbm>> -> memref<16384x48xf32, #tpu.memory_space<hbm>>
      tpu.wait_indirect_dma semaphore(%arg7 : memref<!tpu.dma_semaphore, #tpu.memory_space<semaphore_mem>>) src(%dma_wait3A_15 : memref<16384x48xf32, #tpu.memory_space<hbm>>) dst(%arg6 : memref<128x48xf32, #tpu.memory_space<vmem>>)
      "tpu.region"() ({
        %run_scoped3A = tpu.sem_alloc : memref<!tpu.dma_semaphore, #tpu.memory_space<semaphore_mem>>
        %dma_start3A_16 = arith.constant 0 : i32
        %dma_start3A_17 = tpu.memref_slice %arg4[%add3A_11, %dma_start3A_16] : memref<262144x48xf32, #tpu.memory_space<hbm>> -> memref<128x48xf32, #tpu.memory_space<hbm>>
        %dma_start3A_18 = arith.constant 0 : i32
        %dma_start3A_19 = tpu.memref_slice %arg4[%add3A_11, %dma_start3A_18] : memref<262144x48xf32, #tpu.memory_space<hbm>> -> memref<128x48xf32, #tpu.memory_space<hbm>>
        tpu.enqueue_dma source(%arg6 : memref<128x48xf32, #tpu.memory_space<vmem>>) target(%dma_start3A_19 : memref<128x48xf32, #tpu.memory_space<hbm>>) target_semaphore(%run_scoped3A : memref<!tpu.dma_semaphore, #tpu.memory_space<semaphore_mem>>)
        %dma_wait3A_20 = arith.constant 0 : i32
        %dma_wait3A_21 = tpu.memref_slice %arg4[%add3A_11, %dma_wait3A_20] : memref<262144x48xf32, #tpu.memory_space<hbm>> -> memref<128x48xf32, #tpu.memory_space<hbm>>
        %dma_wait3A_22 = arith.constant 0 : i32
        %dma_wait3A_23 = tpu.memref_slice %arg4[%add3A_11, %dma_wait3A_22] : memref<262144x48xf32, #tpu.memory_space<hbm>> -> memref<128x48xf32, #tpu.memory_space<hbm>>
        tpu.wait_dma2 semaphore(%run_scoped3A : memref<!tpu.dma_semaphore, #tpu.memory_space<semaphore_mem>>) src(%arg6 : memref<128x48xf32, #tpu.memory_space<vmem>>) dst(%dma_wait3A_23 : memref<128x48xf32, #tpu.memory_space<hbm>>)
        tpu.yield
      }) : () -> ()
    }
    %scan3A_7 = arith.constant 64 : i32
    return
  }
}

#map = affine_map<(d0, d1) -> (0, 0)>
#map1 = affine_map<(d0, d1) -> (0)>
module attributes {stable_mosaic.version = 14 : i64} {
  func.func @_sc_gather_body(%arg0: i32, %arg1: i32, %arg2: memref<8192x48xf32, #tpu.memory_space<hbm>>, %arg3: memref<131072xi32, #tpu.memory_space<hbm>>, %arg4: memref<131072x48xf32, #tpu.memory_space<hbm>>, %arg5: memref<128xi32, #tpu.memory_space<vmem>>, %arg6: memref<128x48xf32, #tpu.memory_space<vmem>>, %arg7: memref<!tpu.dma_semaphore, #tpu.memory_space<semaphore_mem>>) attributes {dimension_semantics = [#tpu.dimension_semantics<core_parallel>, #tpu.dimension_semantics<subcore_parallel>], iteration_bounds = array<i64: 2, 16>, scalar_prefetch = 0 : i64, scratch_operands = 3 : i64, tpu.core_type = #tpu.core_type<sc_vector_subcore>, window_params = [{transform_indices = #map}, {transform_indices = #map1}, {transform_indices = #map}]} {
    %mul3A = arith.constant 2 : i32
    %mul3A_0 = arith.muli %arg1, %mul3A : i32
    %add3A = arith.addi %mul3A_0, %arg0 : i32
    %mul3A_1 = arith.constant 4096 : i32
    %mul3A_2 = arith.muli %add3A, %mul3A_1 : i32
    %scan3A = arith.constant 0 : i32
    %scan3A_3 = arith.constant 0 : i32
    %scan3A_4 = arith.constant 32 : i32
    %scan3A_5 = arith.addi %scan3A_3, %scan3A_4 : i32
    %scan3A_6 = arith.constant 1 : i32
    scf.for %scan3A_8 = %scan3A_3 to %scan3A_5 step %scan3A_6  : i32 {
      %mul3A_9 = arith.constant 128 : i32
      %mul3A_10 = arith.muli %scan3A_8, %mul3A_9 : i32
      %add3A_11 = arith.addi %mul3A_2, %mul3A_10 : i32
      "tpu.region"() ({
        %run_scoped3A = tpu.sem_alloc : memref<!tpu.dma_semaphore, #tpu.memory_space<semaphore_mem>>
        %dma_start3A_16 = tpu.memref_slice %arg3[%add3A_11] : memref<131072xi32, #tpu.memory_space<hbm>> -> memref<128xi32, #tpu.memory_space<hbm>>
        %dma_start3A_17 = tpu.memref_slice %arg3[%add3A_11] : memref<131072xi32, #tpu.memory_space<hbm>> -> memref<128xi32, #tpu.memory_space<hbm>>
        tpu.enqueue_dma source(%dma_start3A_17 : memref<128xi32, #tpu.memory_space<hbm>>) target(%arg5 : memref<128xi32, #tpu.memory_space<vmem>>) target_semaphore(%run_scoped3A : memref<!tpu.dma_semaphore, #tpu.memory_space<semaphore_mem>>)
        %dma_wait3A_18 = tpu.memref_slice %arg3[%add3A_11] : memref<131072xi32, #tpu.memory_space<hbm>> -> memref<128xi32, #tpu.memory_space<hbm>>
        %dma_wait3A_19 = tpu.memref_slice %arg3[%add3A_11] : memref<131072xi32, #tpu.memory_space<hbm>> -> memref<128xi32, #tpu.memory_space<hbm>>
        tpu.wait_dma2 semaphore(%run_scoped3A : memref<!tpu.dma_semaphore, #tpu.memory_space<semaphore_mem>>) src(%dma_wait3A_19 : memref<128xi32, #tpu.memory_space<hbm>>) dst(%arg5 : memref<128xi32, #tpu.memory_space<vmem>>)
        tpu.yield
      }) : () -> ()
      %dma_start3A = arith.constant 0 : i32
      %dma_start3A_12 = arith.constant 0 : i32
      %dma_start3A_13 = tpu.memref_slice %arg2[%dma_start3A, %dma_start3A_12] : memref<8192x48xf32, #tpu.memory_space<hbm>> -> memref<8192x48xf32, #tpu.memory_space<hbm>>
      tpu.enqueue_indirect_dma source(%dma_start3A_13 : memref<8192x48xf32, #tpu.memory_space<hbm>>) target(%arg6 : memref<128x48xf32, #tpu.memory_space<vmem>>) offsets(%arg5 : memref<128xi32, #tpu.memory_space<vmem>>) semaphore(%arg7 : memref<!tpu.dma_semaphore, #tpu.memory_space<semaphore_mem>>)
      %dma_wait3A = arith.constant 0 : i32
      %dma_wait3A_14 = arith.constant 0 : i32
      %dma_wait3A_15 = tpu.memref_slice %arg2[%dma_wait3A, %dma_wait3A_14] : memref<8192x48xf32, #tpu.memory_space<hbm>> -> memref<8192x48xf32, #tpu.memory_space<hbm>>
      tpu.wait_indirect_dma semaphore(%arg7 : memref<!tpu.dma_semaphore, #tpu.memory_space<semaphore_mem>>) src(%dma_wait3A_15 : memref<8192x48xf32, #tpu.memory_space<hbm>>) dst(%arg6 : memref<128x48xf32, #tpu.memory_space<vmem>>)
      "tpu.region"() ({
        %run_scoped3A = tpu.sem_alloc : memref<!tpu.dma_semaphore, #tpu.memory_space<semaphore_mem>>
        %dma_start3A_16 = arith.constant 0 : i32
        %dma_start3A_17 = tpu.memref_slice %arg4[%add3A_11, %dma_start3A_16] : memref<131072x48xf32, #tpu.memory_space<hbm>> -> memref<128x48xf32, #tpu.memory_space<hbm>>
        %dma_start3A_18 = arith.constant 0 : i32
        %dma_start3A_19 = tpu.memref_slice %arg4[%add3A_11, %dma_start3A_18] : memref<131072x48xf32, #tpu.memory_space<hbm>> -> memref<128x48xf32, #tpu.memory_space<hbm>>
        tpu.enqueue_dma source(%arg6 : memref<128x48xf32, #tpu.memory_space<vmem>>) target(%dma_start3A_19 : memref<128x48xf32, #tpu.memory_space<hbm>>) target_semaphore(%run_scoped3A : memref<!tpu.dma_semaphore, #tpu.memory_space<semaphore_mem>>)
        %dma_wait3A_20 = arith.constant 0 : i32
        %dma_wait3A_21 = tpu.memref_slice %arg4[%add3A_11, %dma_wait3A_20] : memref<131072x48xf32, #tpu.memory_space<hbm>> -> memref<128x48xf32, #tpu.memory_space<hbm>>
        %dma_wait3A_22 = arith.constant 0 : i32
        %dma_wait3A_23 = tpu.memref_slice %arg4[%add3A_11, %dma_wait3A_22] : memref<131072x48xf32, #tpu.memory_space<hbm>> -> memref<128x48xf32, #tpu.memory_space<hbm>>
        tpu.wait_dma2 semaphore(%run_scoped3A : memref<!tpu.dma_semaphore, #tpu.memory_space<semaphore_mem>>) src(%arg6 : memref<128x48xf32, #tpu.memory_space<vmem>>) dst(%dma_wait3A_23 : memref<128x48xf32, #tpu.memory_space<hbm>>)
        tpu.yield
      }) : () -> ()
    }
    %scan3A_7 = arith.constant 32 : i32
    return
  }
}

module attributes {stable_mosaic.version = 14 : i64} {
  func.func @_topk_body(%arg0: i32, %arg1: i32, %arg2: memref<1x256x3xf32, #tpu.memory_space<vmem>>, %arg3: memref<1x4096x3xf32, #tpu.memory_space<vmem>>, %arg4: memref<1x256x16xi32, #tpu.memory_space<vmem>>) attributes {dimension_semantics = [#tpu.dimension_semantics<arbitrary>, #tpu.dimension_semantics<arbitrary>], iteration_bounds = array<i64: 4, 16>, scalar_prefetch = 0 : i64, scratch_operands = 0 : i64, tpu.core_type = #tpu.core_type<tc>, window_params = [{transform_indices = @transform_0, window_bounds = array<i64: 1, 256, 3>}, {transform_indices = @transform_1, window_bounds = array<i64: 1, 4096, 3>}, {transform_indices = @transform_2, window_bounds = array<i64: 1, 256, 16>}]} {
    %get3A = arith.constant 0 : index
    %get3A_0 = arith.constant 0 : index
    %get3A_1 = arith.constant 0 : index
    %get3A_2 = vector.load %arg2[%get3A, %get3A_0, %get3A_1] : memref<1x256x3xf32, #tpu.memory_space<vmem>>, vector<1x256x3xf32>
    %get3A_3 = vector.shape_cast %get3A_2 : vector<1x256x3xf32> to vector<256x3xf32>
    %get3A_4 = arith.constant 0 : index
    %get3A_5 = arith.constant 0 : index
    %get3A_6 = arith.constant 0 : index
    %get3A_7 = vector.load %arg3[%get3A_4, %get3A_5, %get3A_6] : memref<1x4096x3xf32, #tpu.memory_space<vmem>>, vector<1x4096x3xf32>
    %get3A_8 = vector.shape_cast %get3A_7 : vector<1x4096x3xf32> to vector<4096x3xf32>
    %dot_general3A = arith.constant dense<0.000000e+00> : vector<256x4096xf32>
    %dot_general3A_9 = tpu.matmul %get3A_3, %get3A_8, %dot_general3A {dimension_numbers = #tpu.dot_dimension_numbers<[1], [1], [0], [0], [0, 0, 1, 0], [], []>, transpose_lhs_hint = false} : vector<256x3xf32>, vector<4096x3xf32>, vector<256x4096xf32> -> vector<256x4096xf32>
    %mul3A = arith.constant -2.000000e+00 : f32
    %mul3A_10 = vector.broadcast %mul3A : f32 to vector<256x4096xf32>
    %mul3A_11 = arith.mulf %mul3A_10, %dot_general3A_9 : vector<256x4096xf32>
    %mul3A_12 = arith.mulf %get3A_3, %get3A_3 : vector<256x3xf32>
    %reduce_sum3A = arith.constant dense<0.000000e+00> : vector<256xf32>
    %reduce_sum3A_13 = vector.multi_reduction <add>, %mul3A_12, %reduce_sum3A [1] : vector<256x3xf32> to vector<256xf32>
    %broadcast_in_dim3A = vector.shape_cast %reduce_sum3A_13 : vector<256xf32> to vector<256x1xf32>
    %add3A = vector.broadcast %broadcast_in_dim3A : vector<256x1xf32> to vector<256x4096xf32>
    %add3A_14 = arith.addf %mul3A_11, %add3A : vector<256x4096xf32>
    %mul3A_15 = arith.mulf %get3A_8, %get3A_8 : vector<4096x3xf32>
    %reduce_sum3A_16 = arith.constant dense<0.000000e+00> : vector<4096xf32>
    %reduce_sum3A_17 = vector.multi_reduction <add>, %mul3A_15, %reduce_sum3A_16 [1] : vector<4096x3xf32> to vector<4096xf32>
    %broadcast_in_dim3A_18 = vector.shape_cast %reduce_sum3A_17 : vector<4096xf32> to vector<1x4096xf32>
    %add3A_19 = vector.broadcast %broadcast_in_dim3A_18 : vector<1x4096xf32> to vector<256x4096xf32>
    %add3A_20 = arith.addf %add3A_14, %add3A_19 : vector<256x4096xf32>
    %iota3A = tpu.iota {dimensions = array<i32: 1>} : vector<1x4096xi32>
    %reduce_min3A = arith.constant dense<0x7F800000> : vector<256xf32>
    %reduce_min3A_21 = vector.multi_reduction <minimumf>, %add3A_20, %reduce_min3A [1] : vector<256x4096xf32> to vector<256xf32>
    %broadcast_in_dim3A_22 = vector.shape_cast %reduce_min3A_21 : vector<256xf32> to vector<256x1xf32>
    %le3A = vector.broadcast %broadcast_in_dim3A_22 : vector<256x1xf32> to vector<256x4096xf32>
    %le3A_23 = arith.cmpf ole, %add3A_20, %le3A : vector<256x4096xf32>
    %jit3A = arith.constant 4096 : i32
    %broadcast_in_dim3A_24 = vector.shape_cast %iota3A : vector<1x4096xi32> to vector<1x4096xi32>
    %broadcast_in_dim3A_25 = vector.broadcast %broadcast_in_dim3A_24 : vector<1x4096xi32> to vector<256x4096xi32>
    %broadcast_in_dim3A_26 = vector.broadcast %jit3A : i32 to vector<256x4096xi32>
    %select_n3A = arith.select %le3A_23, %broadcast_in_dim3A_25, %broadcast_in_dim3A_26 : vector<256x4096xi1>, vector<256x4096xi32>
    %reduce_min3A_27 = arith.constant dense<2147483647> : vector<256xi32>
    %reduce_min3A_28 = vector.multi_reduction <minsi>, %select_n3A, %reduce_min3A_27 [1] : vector<256x4096xi32> to vector<256xi32>
    %broadcast_in_dim3A_29 = vector.shape_cast %reduce_min3A_28 : vector<256xi32> to vector<256x1xi32>
    %eq3A = vector.broadcast %iota3A : vector<1x4096xi32> to vector<256x4096xi32>
    %eq3A_30 = vector.broadcast %broadcast_in_dim3A_29 : vector<256x1xi32> to vector<256x4096xi32>
    %eq3A_31 = arith.cmpi eq, %eq3A, %eq3A_30 : vector<256x4096xi32>
    %jit3A_32 = arith.constant 0x7F800000 : f32
    %broadcast_in_dim3A_33 = vector.broadcast %jit3A_32 : f32 to vector<256x4096xf32>
    %select_n3A_34 = arith.select %eq3A_31, %broadcast_in_dim3A_33, %add3A_20 : vector<256x4096xi1>, vector<256x4096xf32>
    %reduce_min3A_35 = arith.constant dense<0x7F800000> : vector<256xf32>
    %reduce_min3A_36 = vector.multi_reduction <minimumf>, %select_n3A_34, %reduce_min3A_35 [1] : vector<256x4096xf32> to vector<256xf32>
    %broadcast_in_dim3A_37 = vector.shape_cast %reduce_min3A_36 : vector<256xf32> to vector<256x1xf32>
    %le3A_38 = vector.broadcast %broadcast_in_dim3A_37 : vector<256x1xf32> to vector<256x4096xf32>
    %le3A_39 = arith.cmpf ole, %select_n3A_34, %le3A_38 : vector<256x4096xf32>
    %jit3A_40 = arith.constant 4096 : i32
    %broadcast_in_dim3A_41 = vector.shape_cast %iota3A : vector<1x4096xi32> to vector<1x4096xi32>
    %broadcast_in_dim3A_42 = vector.broadcast %broadcast_in_dim3A_41 : vector<1x4096xi32> to vector<256x4096xi32>
    %broadcast_in_dim3A_43 = vector.broadcast %jit3A_40 : i32 to vector<256x4096xi32>
    %select_n3A_44 = arith.select %le3A_39, %broadcast_in_dim3A_42, %broadcast_in_dim3A_43 : vector<256x4096xi1>, vector<256x4096xi32>
    %reduce_min3A_45 = arith.constant dense<2147483647> : vector<256xi32>
    %reduce_min3A_46 = vector.multi_reduction <minsi>, %select_n3A_44, %reduce_min3A_45 [1] : vector<256x4096xi32> to vector<256xi32>
    %broadcast_in_dim3A_47 = vector.shape_cast %reduce_min3A_46 : vector<256xi32> to vector<256x1xi32>
    %eq3A_48 = vector.broadcast %iota3A : vector<1x4096xi32> to vector<256x4096xi32>
    %eq3A_49 = vector.broadcast %broadcast_in_dim3A_47 : vector<256x1xi32> to vector<256x4096xi32>
    %eq3A_50 = arith.cmpi eq, %eq3A_48, %eq3A_49 : vector<256x4096xi32>
    %jit3A_51 = arith.constant 0x7F800000 : f32
    %broadcast_in_dim3A_52 = vector.broadcast %jit3A_51 : f32 to vector<256x4096xf32>
    %select_n3A_53 = arith.select %eq3A_50, %broadcast_in_dim3A_52, %select_n3A_34 : vector<256x4096xi1>, vector<256x4096xf32>
    %reduce_min3A_54 = arith.constant dense<0x7F800000> : vector<256xf32>
    %reduce_min3A_55 = vector.multi_reduction <minimumf>, %select_n3A_53, %reduce_min3A_54 [1] : vector<256x4096xf32> to vector<256xf32>
    %broadcast_in_dim3A_56 = vector.shape_cast %reduce_min3A_55 : vector<256xf32> to vector<256x1xf32>
    %le3A_57 = vector.broadcast %broadcast_in_dim3A_56 : vector<256x1xf32> to vector<256x4096xf32>
    %le3A_58 = arith.cmpf ole, %select_n3A_53, %le3A_57 : vector<256x4096xf32>
    %jit3A_59 = arith.constant 4096 : i32
    %broadcast_in_dim3A_60 = vector.shape_cast %iota3A : vector<1x4096xi32> to vector<1x4096xi32>
    %broadcast_in_dim3A_61 = vector.broadcast %broadcast_in_dim3A_60 : vector<1x4096xi32> to vector<256x4096xi32>
    %broadcast_in_dim3A_62 = vector.broadcast %jit3A_59 : i32 to vector<256x4096xi32>
    %select_n3A_63 = arith.select %le3A_58, %broadcast_in_dim3A_61, %broadcast_in_dim3A_62 : vector<256x4096xi1>, vector<256x4096xi32>
    %reduce_min3A_64 = arith.constant dense<2147483647> : vector<256xi32>
    %reduce_min3A_65 = vector.multi_reduction <minsi>, %select_n3A_63, %reduce_min3A_64 [1] : vector<256x4096xi32> to vector<256xi32>
    %broadcast_in_dim3A_66 = vector.shape_cast %reduce_min3A_65 : vector<256xi32> to vector<256x1xi32>
    %eq3A_67 = vector.broadcast %iota3A : vector<1x4096xi32> to vector<256x4096xi32>
    %eq3A_68 = vector.broadcast %broadcast_in_dim3A_66 : vector<256x1xi32> to vector<256x4096xi32>
    %eq3A_69 = arith.cmpi eq, %eq3A_67, %eq3A_68 : vector<256x4096xi32>
    %jit3A_70 = arith.constant 0x7F800000 : f32
    %broadcast_in_dim3A_71 = vector.broadcast %jit3A_70 : f32 to vector<256x4096xf32>
    %select_n3A_72 = arith.select %eq3A_69, %broadcast_in_dim3A_71, %select_n3A_53 : vector<256x4096xi1>, vector<256x4096xf32>
    %reduce_min3A_73 = arith.constant dense<0x7F800000> : vector<256xf32>
    %reduce_min3A_74 = vector.multi_reduction <minimumf>, %select_n3A_72, %reduce_min3A_73 [1] : vector<256x4096xf32> to vector<256xf32>
    %broadcast_in_dim3A_75 = vector.shape_cast %reduce_min3A_74 : vector<256xf32> to vector<256x1xf32>
    %le3A_76 = vector.broadcast %broadcast_in_dim3A_75 : vector<256x1xf32> to vector<256x4096xf32>
    %le3A_77 = arith.cmpf ole, %select_n3A_72, %le3A_76 : vector<256x4096xf32>
    %jit3A_78 = arith.constant 4096 : i32
    %broadcast_in_dim3A_79 = vector.shape_cast %iota3A : vector<1x4096xi32> to vector<1x4096xi32>
    %broadcast_in_dim3A_80 = vector.broadcast %broadcast_in_dim3A_79 : vector<1x4096xi32> to vector<256x4096xi32>
    %broadcast_in_dim3A_81 = vector.broadcast %jit3A_78 : i32 to vector<256x4096xi32>
    %select_n3A_82 = arith.select %le3A_77, %broadcast_in_dim3A_80, %broadcast_in_dim3A_81 : vector<256x4096xi1>, vector<256x4096xi32>
    %reduce_min3A_83 = arith.constant dense<2147483647> : vector<256xi32>
    %reduce_min3A_84 = vector.multi_reduction <minsi>, %select_n3A_82, %reduce_min3A_83 [1] : vector<256x4096xi32> to vector<256xi32>
    %broadcast_in_dim3A_85 = vector.shape_cast %reduce_min3A_84 : vector<256xi32> to vector<256x1xi32>
    %eq3A_86 = vector.broadcast %iota3A : vector<1x4096xi32> to vector<256x4096xi32>
    %eq3A_87 = vector.broadcast %broadcast_in_dim3A_85 : vector<256x1xi32> to vector<256x4096xi32>
    %eq3A_88 = arith.cmpi eq, %eq3A_86, %eq3A_87 : vector<256x4096xi32>
    %jit3A_89 = arith.constant 0x7F800000 : f32
    %broadcast_in_dim3A_90 = vector.broadcast %jit3A_89 : f32 to vector<256x4096xf32>
    %select_n3A_91 = arith.select %eq3A_88, %broadcast_in_dim3A_90, %select_n3A_72 : vector<256x4096xi1>, vector<256x4096xf32>
    %reduce_min3A_92 = arith.constant dense<0x7F800000> : vector<256xf32>
    %reduce_min3A_93 = vector.multi_reduction <minimumf>, %select_n3A_91, %reduce_min3A_92 [1] : vector<256x4096xf32> to vector<256xf32>
    %broadcast_in_dim3A_94 = vector.shape_cast %reduce_min3A_93 : vector<256xf32> to vector<256x1xf32>
    %le3A_95 = vector.broadcast %broadcast_in_dim3A_94 : vector<256x1xf32> to vector<256x4096xf32>
    %le3A_96 = arith.cmpf ole, %select_n3A_91, %le3A_95 : vector<256x4096xf32>
    %jit3A_97 = arith.constant 4096 : i32
    %broadcast_in_dim3A_98 = vector.shape_cast %iota3A : vector<1x4096xi32> to vector<1x4096xi32>
    %broadcast_in_dim3A_99 = vector.broadcast %broadcast_in_dim3A_98 : vector<1x4096xi32> to vector<256x4096xi32>
    %broadcast_in_dim3A_100 = vector.broadcast %jit3A_97 : i32 to vector<256x4096xi32>
    %select_n3A_101 = arith.select %le3A_96, %broadcast_in_dim3A_99, %broadcast_in_dim3A_100 : vector<256x4096xi1>, vector<256x4096xi32>
    %reduce_min3A_102 = arith.constant dense<2147483647> : vector<256xi32>
    %reduce_min3A_103 = vector.multi_reduction <minsi>, %select_n3A_101, %reduce_min3A_102 [1] : vector<256x4096xi32> to vector<256xi32>
    %broadcast_in_dim3A_104 = vector.shape_cast %reduce_min3A_103 : vector<256xi32> to vector<256x1xi32>
    %eq3A_105 = vector.broadcast %iota3A : vector<1x4096xi32> to vector<256x4096xi32>
    %eq3A_106 = vector.broadcast %broadcast_in_dim3A_104 : vector<256x1xi32> to vector<256x4096xi32>
    %eq3A_107 = arith.cmpi eq, %eq3A_105, %eq3A_106 : vector<256x4096xi32>
    %jit3A_108 = arith.constant 0x7F800000 : f32
    %broadcast_in_dim3A_109 = vector.broadcast %jit3A_108 : f32 to vector<256x4096xf32>
    %select_n3A_110 = arith.select %eq3A_107, %broadcast_in_dim3A_109, %select_n3A_91 : vector<256x4096xi1>, vector<256x4096xf32>
    %reduce_min3A_111 = arith.constant dense<0x7F800000> : vector<256xf32>
    %reduce_min3A_112 = vector.multi_reduction <minimumf>, %select_n3A_110, %reduce_min3A_111 [1] : vector<256x4096xf32> to vector<256xf32>
    %broadcast_in_dim3A_113 = vector.shape_cast %reduce_min3A_112 : vector<256xf32> to vector<256x1xf32>
    %le3A_114 = vector.broadcast %broadcast_in_dim3A_113 : vector<256x1xf32> to vector<256x4096xf32>
    %le3A_115 = arith.cmpf ole, %select_n3A_110, %le3A_114 : vector<256x4096xf32>
    %jit3A_116 = arith.constant 4096 : i32
    %broadcast_in_dim3A_117 = vector.shape_cast %iota3A : vector<1x4096xi32> to vector<1x4096xi32>
    %broadcast_in_dim3A_118 = vector.broadcast %broadcast_in_dim3A_117 : vector<1x4096xi32> to vector<256x4096xi32>
    %broadcast_in_dim3A_119 = vector.broadcast %jit3A_116 : i32 to vector<256x4096xi32>
    %select_n3A_120 = arith.select %le3A_115, %broadcast_in_dim3A_118, %broadcast_in_dim3A_119 : vector<256x4096xi1>, vector<256x4096xi32>
    %reduce_min3A_121 = arith.constant dense<2147483647> : vector<256xi32>
    %reduce_min3A_122 = vector.multi_reduction <minsi>, %select_n3A_120, %reduce_min3A_121 [1] : vector<256x4096xi32> to vector<256xi32>
    %broadcast_in_dim3A_123 = vector.shape_cast %reduce_min3A_122 : vector<256xi32> to vector<256x1xi32>
    %eq3A_124 = vector.broadcast %iota3A : vector<1x4096xi32> to vector<256x4096xi32>
    %eq3A_125 = vector.broadcast %broadcast_in_dim3A_123 : vector<256x1xi32> to vector<256x4096xi32>
    %eq3A_126 = arith.cmpi eq, %eq3A_124, %eq3A_125 : vector<256x4096xi32>
    %jit3A_127 = arith.constant 0x7F800000 : f32
    %broadcast_in_dim3A_128 = vector.broadcast %jit3A_127 : f32 to vector<256x4096xf32>
    %select_n3A_129 = arith.select %eq3A_126, %broadcast_in_dim3A_128, %select_n3A_110 : vector<256x4096xi1>, vector<256x4096xf32>
    %reduce_min3A_130 = arith.constant dense<0x7F800000> : vector<256xf32>
    %reduce_min3A_131 = vector.multi_reduction <minimumf>, %select_n3A_129, %reduce_min3A_130 [1] : vector<256x4096xf32> to vector<256xf32>
    %broadcast_in_dim3A_132 = vector.shape_cast %reduce_min3A_131 : vector<256xf32> to vector<256x1xf32>
    %le3A_133 = vector.broadcast %broadcast_in_dim3A_132 : vector<256x1xf32> to vector<256x4096xf32>
    %le3A_134 = arith.cmpf ole, %select_n3A_129, %le3A_133 : vector<256x4096xf32>
    %jit3A_135 = arith.constant 4096 : i32
    %broadcast_in_dim3A_136 = vector.shape_cast %iota3A : vector<1x4096xi32> to vector<1x4096xi32>
    %broadcast_in_dim3A_137 = vector.broadcast %broadcast_in_dim3A_136 : vector<1x4096xi32> to vector<256x4096xi32>
    %broadcast_in_dim3A_138 = vector.broadcast %jit3A_135 : i32 to vector<256x4096xi32>
    %select_n3A_139 = arith.select %le3A_134, %broadcast_in_dim3A_137, %broadcast_in_dim3A_138 : vector<256x4096xi1>, vector<256x4096xi32>
    %reduce_min3A_140 = arith.constant dense<2147483647> : vector<256xi32>
    %reduce_min3A_141 = vector.multi_reduction <minsi>, %select_n3A_139, %reduce_min3A_140 [1] : vector<256x4096xi32> to vector<256xi32>
    %broadcast_in_dim3A_142 = vector.shape_cast %reduce_min3A_141 : vector<256xi32> to vector<256x1xi32>
    %eq3A_143 = vector.broadcast %iota3A : vector<1x4096xi32> to vector<256x4096xi32>
    %eq3A_144 = vector.broadcast %broadcast_in_dim3A_142 : vector<256x1xi32> to vector<256x4096xi32>
    %eq3A_145 = arith.cmpi eq, %eq3A_143, %eq3A_144 : vector<256x4096xi32>
    %jit3A_146 = arith.constant 0x7F800000 : f32
    %broadcast_in_dim3A_147 = vector.broadcast %jit3A_146 : f32 to vector<256x4096xf32>
    %select_n3A_148 = arith.select %eq3A_145, %broadcast_in_dim3A_147, %select_n3A_129 : vector<256x4096xi1>, vector<256x4096xf32>
    %reduce_min3A_149 = arith.constant dense<0x7F800000> : vector<256xf32>
    %reduce_min3A_150 = vector.multi_reduction <minimumf>, %select_n3A_148, %reduce_min3A_149 [1] : vector<256x4096xf32> to vector<256xf32>
    %broadcast_in_dim3A_151 = vector.shape_cast %reduce_min3A_150 : vector<256xf32> to vector<256x1xf32>
    %le3A_152 = vector.broadcast %broadcast_in_dim3A_151 : vector<256x1xf32> to vector<256x4096xf32>
    %le3A_153 = arith.cmpf ole, %select_n3A_148, %le3A_152 : vector<256x4096xf32>
    %jit3A_154 = arith.constant 4096 : i32
    %broadcast_in_dim3A_155 = vector.shape_cast %iota3A : vector<1x4096xi32> to vector<1x4096xi32>
    %broadcast_in_dim3A_156 = vector.broadcast %broadcast_in_dim3A_155 : vector<1x4096xi32> to vector<256x4096xi32>
    %broadcast_in_dim3A_157 = vector.broadcast %jit3A_154 : i32 to vector<256x4096xi32>
    %select_n3A_158 = arith.select %le3A_153, %broadcast_in_dim3A_156, %broadcast_in_dim3A_157 : vector<256x4096xi1>, vector<256x4096xi32>
    %reduce_min3A_159 = arith.constant dense<2147483647> : vector<256xi32>
    %reduce_min3A_160 = vector.multi_reduction <minsi>, %select_n3A_158, %reduce_min3A_159 [1] : vector<256x4096xi32> to vector<256xi32>
    %broadcast_in_dim3A_161 = vector.shape_cast %reduce_min3A_160 : vector<256xi32> to vector<256x1xi32>
    %eq3A_162 = vector.broadcast %iota3A : vector<1x4096xi32> to vector<256x4096xi32>
    %eq3A_163 = vector.broadcast %broadcast_in_dim3A_161 : vector<256x1xi32> to vector<256x4096xi32>
    %eq3A_164 = arith.cmpi eq, %eq3A_162, %eq3A_163 : vector<256x4096xi32>
    %jit3A_165 = arith.constant 0x7F800000 : f32
    %broadcast_in_dim3A_166 = vector.broadcast %jit3A_165 : f32 to vector<256x4096xf32>
    %select_n3A_167 = arith.select %eq3A_164, %broadcast_in_dim3A_166, %select_n3A_148 : vector<256x4096xi1>, vector<256x4096xf32>
    %reduce_min3A_168 = arith.constant dense<0x7F800000> : vector<256xf32>
    %reduce_min3A_169 = vector.multi_reduction <minimumf>, %select_n3A_167, %reduce_min3A_168 [1] : vector<256x4096xf32> to vector<256xf32>
    %broadcast_in_dim3A_170 = vector.shape_cast %reduce_min3A_169 : vector<256xf32> to vector<256x1xf32>
    %le3A_171 = vector.broadcast %broadcast_in_dim3A_170 : vector<256x1xf32> to vector<256x4096xf32>
    %le3A_172 = arith.cmpf ole, %select_n3A_167, %le3A_171 : vector<256x4096xf32>
    %jit3A_173 = arith.constant 4096 : i32
    %broadcast_in_dim3A_174 = vector.shape_cast %iota3A : vector<1x4096xi32> to vector<1x4096xi32>
    %broadcast_in_dim3A_175 = vector.broadcast %broadcast_in_dim3A_174 : vector<1x4096xi32> to vector<256x4096xi32>
    %broadcast_in_dim3A_176 = vector.broadcast %jit3A_173 : i32 to vector<256x4096xi32>
    %select_n3A_177 = arith.select %le3A_172, %broadcast_in_dim3A_175, %broadcast_in_dim3A_176 : vector<256x4096xi1>, vector<256x4096xi32>
    %reduce_min3A_178 = arith.constant dense<2147483647> : vector<256xi32>
    %reduce_min3A_179 = vector.multi_reduction <minsi>, %select_n3A_177, %reduce_min3A_178 [1] : vector<256x4096xi32> to vector<256xi32>
    %broadcast_in_dim3A_180 = vector.shape_cast %reduce_min3A_179 : vector<256xi32> to vector<256x1xi32>
    %eq3A_181 = vector.broadcast %iota3A : vector<1x4096xi32> to vector<256x4096xi32>
    %eq3A_182 = vector.broadcast %broadcast_in_dim3A_180 : vector<256x1xi32> to vector<256x4096xi32>
    %eq3A_183 = arith.cmpi eq, %eq3A_181, %eq3A_182 : vector<256x4096xi32>
    %jit3A_184 = arith.constant 0x7F800000 : f32
    %broadcast_in_dim3A_185 = vector.broadcast %jit3A_184 : f32 to vector<256x4096xf32>
    %select_n3A_186 = arith.select %eq3A_183, %broadcast_in_dim3A_185, %select_n3A_167 : vector<256x4096xi1>, vector<256x4096xf32>
    %reduce_min3A_187 = arith.constant dense<0x7F800000> : vector<256xf32>
    %reduce_min3A_188 = vector.multi_reduction <minimumf>, %select_n3A_186, %reduce_min3A_187 [1] : vector<256x4096xf32> to vector<256xf32>
    %broadcast_in_dim3A_189 = vector.shape_cast %reduce_min3A_188 : vector<256xf32> to vector<256x1xf32>
    %le3A_190 = vector.broadcast %broadcast_in_dim3A_189 : vector<256x1xf32> to vector<256x4096xf32>
    %le3A_191 = arith.cmpf ole, %select_n3A_186, %le3A_190 : vector<256x4096xf32>
    %jit3A_192 = arith.constant 4096 : i32
    %broadcast_in_dim3A_193 = vector.shape_cast %iota3A : vector<1x4096xi32> to vector<1x4096xi32>
    %broadcast_in_dim3A_194 = vector.broadcast %broadcast_in_dim3A_193 : vector<1x4096xi32> to vector<256x4096xi32>
    %broadcast_in_dim3A_195 = vector.broadcast %jit3A_192 : i32 to vector<256x4096xi32>
    %select_n3A_196 = arith.select %le3A_191, %broadcast_in_dim3A_194, %broadcast_in_dim3A_195 : vector<256x4096xi1>, vector<256x4096xi32>
    %reduce_min3A_197 = arith.constant dense<2147483647> : vector<256xi32>
    %reduce_min3A_198 = vector.multi_reduction <minsi>, %select_n3A_196, %reduce_min3A_197 [1] : vector<256x4096xi32> to vector<256xi32>
    %broadcast_in_dim3A_199 = vector.shape_cast %reduce_min3A_198 : vector<256xi32> to vector<256x1xi32>
    %eq3A_200 = vector.broadcast %iota3A : vector<1x4096xi32> to vector<256x4096xi32>
    %eq3A_201 = vector.broadcast %broadcast_in_dim3A_199 : vector<256x1xi32> to vector<256x4096xi32>
    %eq3A_202 = arith.cmpi eq, %eq3A_200, %eq3A_201 : vector<256x4096xi32>
    %jit3A_203 = arith.constant 0x7F800000 : f32
    %broadcast_in_dim3A_204 = vector.broadcast %jit3A_203 : f32 to vector<256x4096xf32>
    %select_n3A_205 = arith.select %eq3A_202, %broadcast_in_dim3A_204, %select_n3A_186 : vector<256x4096xi1>, vector<256x4096xf32>
    %reduce_min3A_206 = arith.constant dense<0x7F800000> : vector<256xf32>
    %reduce_min3A_207 = vector.multi_reduction <minimumf>, %select_n3A_205, %reduce_min3A_206 [1] : vector<256x4096xf32> to vector<256xf32>
    %broadcast_in_dim3A_208 = vector.shape_cast %reduce_min3A_207 : vector<256xf32> to vector<256x1xf32>
    %le3A_209 = vector.broadcast %broadcast_in_dim3A_208 : vector<256x1xf32> to vector<256x4096xf32>
    %le3A_210 = arith.cmpf ole, %select_n3A_205, %le3A_209 : vector<256x4096xf32>
    %jit3A_211 = arith.constant 4096 : i32
    %broadcast_in_dim3A_212 = vector.shape_cast %iota3A : vector<1x4096xi32> to vector<1x4096xi32>
    %broadcast_in_dim3A_213 = vector.broadcast %broadcast_in_dim3A_212 : vector<1x4096xi32> to vector<256x4096xi32>
    %broadcast_in_dim3A_214 = vector.broadcast %jit3A_211 : i32 to vector<256x4096xi32>
    %select_n3A_215 = arith.select %le3A_210, %broadcast_in_dim3A_213, %broadcast_in_dim3A_214 : vector<256x4096xi1>, vector<256x4096xi32>
    %reduce_min3A_216 = arith.constant dense<2147483647> : vector<256xi32>
    %reduce_min3A_217 = vector.multi_reduction <minsi>, %select_n3A_215, %reduce_min3A_216 [1] : vector<256x4096xi32> to vector<256xi32>
    %broadcast_in_dim3A_218 = vector.shape_cast %reduce_min3A_217 : vector<256xi32> to vector<256x1xi32>
    %eq3A_219 = vector.broadcast %iota3A : vector<1x4096xi32> to vector<256x4096xi32>
    %eq3A_220 = vector.broadcast %broadcast_in_dim3A_218 : vector<256x1xi32> to vector<256x4096xi32>
    %eq3A_221 = arith.cmpi eq, %eq3A_219, %eq3A_220 : vector<256x4096xi32>
    %jit3A_222 = arith.constant 0x7F800000 : f32
    %broadcast_in_dim3A_223 = vector.broadcast %jit3A_222 : f32 to vector<256x4096xf32>
    %select_n3A_224 = arith.select %eq3A_221, %broadcast_in_dim3A_223, %select_n3A_205 : vector<256x4096xi1>, vector<256x4096xf32>
    %reduce_min3A_225 = arith.constant dense<0x7F800000> : vector<256xf32>
    %reduce_min3A_226 = vector.multi_reduction <minimumf>, %select_n3A_224, %reduce_min3A_225 [1] : vector<256x4096xf32> to vector<256xf32>
    %broadcast_in_dim3A_227 = vector.shape_cast %reduce_min3A_226 : vector<256xf32> to vector<256x1xf32>
    %le3A_228 = vector.broadcast %broadcast_in_dim3A_227 : vector<256x1xf32> to vector<256x4096xf32>
    %le3A_229 = arith.cmpf ole, %select_n3A_224, %le3A_228 : vector<256x4096xf32>
    %jit3A_230 = arith.constant 4096 : i32
    %broadcast_in_dim3A_231 = vector.shape_cast %iota3A : vector<1x4096xi32> to vector<1x4096xi32>
    %broadcast_in_dim3A_232 = vector.broadcast %broadcast_in_dim3A_231 : vector<1x4096xi32> to vector<256x4096xi32>
    %broadcast_in_dim3A_233 = vector.broadcast %jit3A_230 : i32 to vector<256x4096xi32>
    %select_n3A_234 = arith.select %le3A_229, %broadcast_in_dim3A_232, %broadcast_in_dim3A_233 : vector<256x4096xi1>, vector<256x4096xi32>
    %reduce_min3A_235 = arith.constant dense<2147483647> : vector<256xi32>
    %reduce_min3A_236 = vector.multi_reduction <minsi>, %select_n3A_234, %reduce_min3A_235 [1] : vector<256x4096xi32> to vector<256xi32>
    %broadcast_in_dim3A_237 = vector.shape_cast %reduce_min3A_236 : vector<256xi32> to vector<256x1xi32>
    %eq3A_238 = vector.broadcast %iota3A : vector<1x4096xi32> to vector<256x4096xi32>
    %eq3A_239 = vector.broadcast %broadcast_in_dim3A_237 : vector<256x1xi32> to vector<256x4096xi32>
    %eq3A_240 = arith.cmpi eq, %eq3A_238, %eq3A_239 : vector<256x4096xi32>
    %jit3A_241 = arith.constant 0x7F800000 : f32
    %broadcast_in_dim3A_242 = vector.broadcast %jit3A_241 : f32 to vector<256x4096xf32>
    %select_n3A_243 = arith.select %eq3A_240, %broadcast_in_dim3A_242, %select_n3A_224 : vector<256x4096xi1>, vector<256x4096xf32>
    %reduce_min3A_244 = arith.constant dense<0x7F800000> : vector<256xf32>
    %reduce_min3A_245 = vector.multi_reduction <minimumf>, %select_n3A_243, %reduce_min3A_244 [1] : vector<256x4096xf32> to vector<256xf32>
    %broadcast_in_dim3A_246 = vector.shape_cast %reduce_min3A_245 : vector<256xf32> to vector<256x1xf32>
    %le3A_247 = vector.broadcast %broadcast_in_dim3A_246 : vector<256x1xf32> to vector<256x4096xf32>
    %le3A_248 = arith.cmpf ole, %select_n3A_243, %le3A_247 : vector<256x4096xf32>
    %jit3A_249 = arith.constant 4096 : i32
    %broadcast_in_dim3A_250 = vector.shape_cast %iota3A : vector<1x4096xi32> to vector<1x4096xi32>
    %broadcast_in_dim3A_251 = vector.broadcast %broadcast_in_dim3A_250 : vector<1x4096xi32> to vector<256x4096xi32>
    %broadcast_in_dim3A_252 = vector.broadcast %jit3A_249 : i32 to vector<256x4096xi32>
    %select_n3A_253 = arith.select %le3A_248, %broadcast_in_dim3A_251, %broadcast_in_dim3A_252 : vector<256x4096xi1>, vector<256x4096xi32>
    %reduce_min3A_254 = arith.constant dense<2147483647> : vector<256xi32>
    %reduce_min3A_255 = vector.multi_reduction <minsi>, %select_n3A_253, %reduce_min3A_254 [1] : vector<256x4096xi32> to vector<256xi32>
    %broadcast_in_dim3A_256 = vector.shape_cast %reduce_min3A_255 : vector<256xi32> to vector<256x1xi32>
    %eq3A_257 = vector.broadcast %iota3A : vector<1x4096xi32> to vector<256x4096xi32>
    %eq3A_258 = vector.broadcast %broadcast_in_dim3A_256 : vector<256x1xi32> to vector<256x4096xi32>
    %eq3A_259 = arith.cmpi eq, %eq3A_257, %eq3A_258 : vector<256x4096xi32>
    %jit3A_260 = arith.constant 0x7F800000 : f32
    %broadcast_in_dim3A_261 = vector.broadcast %jit3A_260 : f32 to vector<256x4096xf32>
    %select_n3A_262 = arith.select %eq3A_259, %broadcast_in_dim3A_261, %select_n3A_243 : vector<256x4096xi1>, vector<256x4096xf32>
    %reduce_min3A_263 = arith.constant dense<0x7F800000> : vector<256xf32>
    %reduce_min3A_264 = vector.multi_reduction <minimumf>, %select_n3A_262, %reduce_min3A_263 [1] : vector<256x4096xf32> to vector<256xf32>
    %broadcast_in_dim3A_265 = vector.shape_cast %reduce_min3A_264 : vector<256xf32> to vector<256x1xf32>
    %le3A_266 = vector.broadcast %broadcast_in_dim3A_265 : vector<256x1xf32> to vector<256x4096xf32>
    %le3A_267 = arith.cmpf ole, %select_n3A_262, %le3A_266 : vector<256x4096xf32>
    %jit3A_268 = arith.constant 4096 : i32
    %broadcast_in_dim3A_269 = vector.shape_cast %iota3A : vector<1x4096xi32> to vector<1x4096xi32>
    %broadcast_in_dim3A_270 = vector.broadcast %broadcast_in_dim3A_269 : vector<1x4096xi32> to vector<256x4096xi32>
    %broadcast_in_dim3A_271 = vector.broadcast %jit3A_268 : i32 to vector<256x4096xi32>
    %select_n3A_272 = arith.select %le3A_267, %broadcast_in_dim3A_270, %broadcast_in_dim3A_271 : vector<256x4096xi1>, vector<256x4096xi32>
    %reduce_min3A_273 = arith.constant dense<2147483647> : vector<256xi32>
    %reduce_min3A_274 = vector.multi_reduction <minsi>, %select_n3A_272, %reduce_min3A_273 [1] : vector<256x4096xi32> to vector<256xi32>
    %broadcast_in_dim3A_275 = vector.shape_cast %reduce_min3A_274 : vector<256xi32> to vector<256x1xi32>
    %eq3A_276 = vector.broadcast %iota3A : vector<1x4096xi32> to vector<256x4096xi32>
    %eq3A_277 = vector.broadcast %broadcast_in_dim3A_275 : vector<256x1xi32> to vector<256x4096xi32>
    %eq3A_278 = arith.cmpi eq, %eq3A_276, %eq3A_277 : vector<256x4096xi32>
    %jit3A_279 = arith.constant 0x7F800000 : f32
    %broadcast_in_dim3A_280 = vector.broadcast %jit3A_279 : f32 to vector<256x4096xf32>
    %select_n3A_281 = arith.select %eq3A_278, %broadcast_in_dim3A_280, %select_n3A_262 : vector<256x4096xi1>, vector<256x4096xf32>
    %reduce_min3A_282 = arith.constant dense<0x7F800000> : vector<256xf32>
    %reduce_min3A_283 = vector.multi_reduction <minimumf>, %select_n3A_281, %reduce_min3A_282 [1] : vector<256x4096xf32> to vector<256xf32>
    %broadcast_in_dim3A_284 = vector.shape_cast %reduce_min3A_283 : vector<256xf32> to vector<256x1xf32>
    %le3A_285 = vector.broadcast %broadcast_in_dim3A_284 : vector<256x1xf32> to vector<256x4096xf32>
    %le3A_286 = arith.cmpf ole, %select_n3A_281, %le3A_285 : vector<256x4096xf32>
    %jit3A_287 = arith.constant 4096 : i32
    %broadcast_in_dim3A_288 = vector.shape_cast %iota3A : vector<1x4096xi32> to vector<1x4096xi32>
    %broadcast_in_dim3A_289 = vector.broadcast %broadcast_in_dim3A_288 : vector<1x4096xi32> to vector<256x4096xi32>
    %broadcast_in_dim3A_290 = vector.broadcast %jit3A_287 : i32 to vector<256x4096xi32>
    %select_n3A_291 = arith.select %le3A_286, %broadcast_in_dim3A_289, %broadcast_in_dim3A_290 : vector<256x4096xi1>, vector<256x4096xi32>
    %reduce_min3A_292 = arith.constant dense<2147483647> : vector<256xi32>
    %reduce_min3A_293 = vector.multi_reduction <minsi>, %select_n3A_291, %reduce_min3A_292 [1] : vector<256x4096xi32> to vector<256xi32>
    %broadcast_in_dim3A_294 = vector.shape_cast %reduce_min3A_293 : vector<256xi32> to vector<256x1xi32>
    %eq3A_295 = vector.broadcast %iota3A : vector<1x4096xi32> to vector<256x4096xi32>
    %eq3A_296 = vector.broadcast %broadcast_in_dim3A_294 : vector<256x1xi32> to vector<256x4096xi32>
    %eq3A_297 = arith.cmpi eq, %eq3A_295, %eq3A_296 : vector<256x4096xi32>
    %jit3A_298 = arith.constant 0x7F800000 : f32
    %broadcast_in_dim3A_299 = vector.broadcast %jit3A_298 : f32 to vector<256x4096xf32>
    %select_n3A_300 = arith.select %eq3A_297, %broadcast_in_dim3A_299, %select_n3A_281 : vector<256x4096xi1>, vector<256x4096xf32>
    %reduce_min3A_301 = arith.constant dense<0x7F800000> : vector<256xf32>
    %reduce_min3A_302 = vector.multi_reduction <minimumf>, %select_n3A_300, %reduce_min3A_301 [1] : vector<256x4096xf32> to vector<256xf32>
    %broadcast_in_dim3A_303 = vector.shape_cast %reduce_min3A_302 : vector<256xf32> to vector<256x1xf32>
    %le3A_304 = vector.broadcast %broadcast_in_dim3A_303 : vector<256x1xf32> to vector<256x4096xf32>
    %le3A_305 = arith.cmpf ole, %select_n3A_300, %le3A_304 : vector<256x4096xf32>
    %jit3A_306 = arith.constant 4096 : i32
    %broadcast_in_dim3A_307 = vector.shape_cast %iota3A : vector<1x4096xi32> to vector<1x4096xi32>
    %broadcast_in_dim3A_308 = vector.broadcast %broadcast_in_dim3A_307 : vector<1x4096xi32> to vector<256x4096xi32>
    %broadcast_in_dim3A_309 = vector.broadcast %jit3A_306 : i32 to vector<256x4096xi32>
    %select_n3A_310 = arith.select %le3A_305, %broadcast_in_dim3A_308, %broadcast_in_dim3A_309 : vector<256x4096xi1>, vector<256x4096xi32>
    %reduce_min3A_311 = arith.constant dense<2147483647> : vector<256xi32>
    %reduce_min3A_312 = vector.multi_reduction <minsi>, %select_n3A_310, %reduce_min3A_311 [1] : vector<256x4096xi32> to vector<256xi32>
    %broadcast_in_dim3A_313 = vector.shape_cast %reduce_min3A_312 : vector<256xi32> to vector<256x1xi32>
    %concatenate3A = tpu.concatenate %broadcast_in_dim3A_29, %broadcast_in_dim3A_47, %broadcast_in_dim3A_66, %broadcast_in_dim3A_85, %broadcast_in_dim3A_104, %broadcast_in_dim3A_123, %broadcast_in_dim3A_142, %broadcast_in_dim3A_161, %broadcast_in_dim3A_180, %broadcast_in_dim3A_199, %broadcast_in_dim3A_218, %broadcast_in_dim3A_237, %broadcast_in_dim3A_256, %broadcast_in_dim3A_275, %broadcast_in_dim3A_294, %broadcast_in_dim3A_313 in 1 : vector<256x1xi32>, vector<256x1xi32>, vector<256x1xi32>, vector<256x1xi32>, vector<256x1xi32>, vector<256x1xi32>, vector<256x1xi32>, vector<256x1xi32>, vector<256x1xi32>, vector<256x1xi32>, vector<256x1xi32>, vector<256x1xi32>, vector<256x1xi32>, vector<256x1xi32>, vector<256x1xi32>, vector<256x1xi32> -> vector<256x16xi32>
    %mul3A_314 = arith.constant 4096 : i32
    %mul3A_315 = arith.muli %arg0, %mul3A_314 : i32
    %add3A_316 = vector.broadcast %mul3A_315 : i32 to vector<256x16xi32>
    %add3A_317 = arith.addi %concatenate3A, %add3A_316 : vector<256x16xi32>
    %swap3A = arith.constant 0 : index
    %swap3A_318 = arith.constant 0 : index
    %swap3A_319 = arith.constant 0 : index
    %swap3A_320 = vector.load %arg4[%swap3A, %swap3A_318, %swap3A_319] : memref<1x256x16xi32, #tpu.memory_space<vmem>>, vector<1x256x16xi32>
    %swap3A_321 = vector.shape_cast %swap3A_320 : vector<1x256x16xi32> to vector<256x16xi32>
    %swap3A_322 = vector.shape_cast %add3A_317 : vector<256x16xi32> to vector<1x256x16xi32>
    tpu.vector_store %arg4[%swap3A, %swap3A_318, %swap3A_319], %swap3A_322 {strides = array<i32>} : memref<1x256x16xi32, #tpu.memory_space<vmem>>, vector<1x256x16xi32>,
    return
  }
  func.func @transform_0(%arg0: i32, %arg1: i32) -> (i32, i32, i32) {
    %c0_i32 = arith.constant 0 : i32
    %c0_i32_0 = arith.constant 0 : i32
    return %arg0, %arg1, %c0_i32 : i32, i32, i32
  }
  func.func @transform_1(%arg0: i32, %arg1: i32) -> (i32, i32, i32) {
    %c0_i32 = arith.constant 0 : i32
    %c0_i32_0 = arith.constant 0 : i32
    %c0_i32_1 = arith.constant 0 : i32
    return %arg0, %c0_i32, %c0_i32_0 : i32, i32, i32
  }
  func.func @transform_2(%arg0: i32, %arg1: i32) -> (i32, i32, i32) {
    %c0_i32 = arith.constant 0 : i32
    %c0_i32_0 = arith.constant 0 : i32
    return %arg0, %arg1, %c0_i32 : i32, i32, i32
  }
}

module attributes {stable_mosaic.version = 14 : i64} {
  func.func @_agg_body(%arg0: i32, %arg1: memref<4096x48xf32, #tpu.memory_space<vmem>>, %arg2: memref<4096x3xf32, #tpu.memory_space<vmem>>, %arg3: memref<256x32xf32, #tpu.memory_space<vmem>>, %arg4: memref<3x8xf32, #tpu.memory_space<vmem>>, %arg5: memref<1x8xf32, #tpu.memory_space<vmem>>, %arg6: memref<8x8xf32, #tpu.memory_space<vmem>>, %arg7: memref<1x8xf32, #tpu.memory_space<vmem>>, %arg8: memref<8x16xf32, #tpu.memory_space<vmem>>, %arg9: memref<1x16xf32, #tpu.memory_space<vmem>>, %arg10: memref<1024x32xf32, #tpu.memory_space<vmem>>, %arg11: memref<1x32xf32, #tpu.memory_space<vmem>>, %arg12: memref<256x32xf32, #tpu.memory_space<vmem>>) attributes {dimension_semantics = [#tpu.dimension_semantics<arbitrary>], iteration_bounds = array<i64: 64>, scalar_prefetch = 0 : i64, scratch_operands = 0 : i64, tpu.core_type = #tpu.core_type<tc>, window_params = [{transform_indices = @transform_0, window_bounds = array<i64: 4096, 48>}, {transform_indices = @transform_1, window_bounds = array<i64: 4096, 3>}, {transform_indices = @transform_2, window_bounds = array<i64: 256, 32>}, {pipeline_mode = #tpu.pipeline_mode<synchronous>, transform_indices = @transform_3, window_bounds = array<i64: 3, 8>}, {pipeline_mode = #tpu.pipeline_mode<synchronous>, transform_indices = @transform_4, window_bounds = array<i64: 1, 8>}, {pipeline_mode = #tpu.pipeline_mode<synchronous>, transform_indices = @transform_5, window_bounds = array<i64: 8, 8>}, {pipeline_mode = #tpu.pipeline_mode<synchronous>, transform_indices = @transform_6, window_bounds = array<i64: 1, 8>}, {pipeline_mode = #tpu.pipeline_mode<synchronous>, transform_indices = @transform_7, window_bounds = array<i64: 8, 16>}, {pipeline_mode = #tpu.pipeline_mode<synchronous>, transform_indices = @transform_8, window_bounds = array<i64: 1, 16>}, {pipeline_mode = #tpu.pipeline_mode<synchronous>, transform_indices = @transform_9, window_bounds = array<i64: 1024, 32>}, {pipeline_mode = #tpu.pipeline_mode<synchronous>, transform_indices = @transform_10, window_bounds = array<i64: 1, 32>}, {transform_indices = @transform_11, window_bounds = array<i64: 256, 32>}]} {
    %get3A = arith.constant 0 : index
    %get3A_0 = arith.constant 0 : index
    %get3A_1 = vector.load %arg1[%get3A, %get3A_0] : memref<4096x48xf32, #tpu.memory_space<vmem>>, vector<4096x3xf32>
    %get3A_2 = arith.constant 0 : index
    %get3A_3 = arith.constant 0 : index
    %get3A_4 = vector.load %arg2[%get3A_2, %get3A_3] : memref<4096x3xf32, #tpu.memory_space<vmem>>, vector<4096x3xf32>
    %sub3A = arith.subf %get3A_1, %get3A_4 : vector<4096x3xf32>
    %get3A_5 = arith.constant 0 : index
    %get3A_6 = arith.constant 0 : index
    %get3A_7 = vector.load %arg4[%get3A_5, %get3A_6] : memref<3x8xf32, #tpu.memory_space<vmem>>, vector<3x8xf32>
    %dot_general3A = arith.constant dense<0.000000e+00> : vector<4096x8xf32>
    %dot_general3A_8 = tpu.matmul %sub3A, %get3A_7, %dot_general3A {dimension_numbers = #tpu.dot_dimension_numbers<[1], [0], [0], [1], [0, 0, 1, 1], [], []>, transpose_lhs_hint = false} : vector<4096x3xf32>, vector<3x8xf32>, vector<4096x8xf32> -> vector<4096x8xf32>
    %get3A_9 = arith.constant 0 : index
    %get3A_10 = arith.constant 0 : index
    %get3A_11 = vector.load %arg5[%get3A_9, %get3A_10] : memref<1x8xf32, #tpu.memory_space<vmem>>, vector<1x8xf32>
    %add3A = vector.broadcast %get3A_11 : vector<1x8xf32> to vector<4096x8xf32>
    %add3A_12 = arith.addf %dot_general3A_8, %add3A : vector<4096x8xf32>
    %max3A = arith.constant 0.000000e+00 : f32
    %max3A_13 = vector.broadcast %max3A : f32 to vector<4096x8xf32>
    %max3A_14 = arith.maximumf %add3A_12, %max3A_13 : vector<4096x8xf32>
    %get3A_15 = arith.constant 0 : index
    %get3A_16 = arith.constant 0 : index
    %get3A_17 = vector.load %arg6[%get3A_15, %get3A_16] : memref<8x8xf32, #tpu.memory_space<vmem>>, vector<8x8xf32>
    %dot_general3A_18 = arith.constant dense<0.000000e+00> : vector<4096x8xf32>
    %dot_general3A_19 = tpu.matmul %max3A_14, %get3A_17, %dot_general3A_18 {dimension_numbers = #tpu.dot_dimension_numbers<[1], [0], [0], [1], [0, 0, 1, 1], [], []>, transpose_lhs_hint = false} : vector<4096x8xf32>, vector<8x8xf32>, vector<4096x8xf32> -> vector<4096x8xf32>
    %get3A_20 = arith.constant 0 : index
    %get3A_21 = arith.constant 0 : index
    %get3A_22 = vector.load %arg7[%get3A_20, %get3A_21] : memref<1x8xf32, #tpu.memory_space<vmem>>, vector<1x8xf32>
    %add3A_23 = vector.broadcast %get3A_22 : vector<1x8xf32> to vector<4096x8xf32>
    %add3A_24 = arith.addf %dot_general3A_19, %add3A_23 : vector<4096x8xf32>
    %max3A_25 = arith.constant 0.000000e+00 : f32
    %max3A_26 = vector.broadcast %max3A_25 : f32 to vector<4096x8xf32>
    %max3A_27 = arith.maximumf %add3A_24, %max3A_26 : vector<4096x8xf32>
    %get3A_28 = arith.constant 0 : index
    %get3A_29 = arith.constant 0 : index
    %get3A_30 = vector.load %arg8[%get3A_28, %get3A_29] : memref<8x16xf32, #tpu.memory_space<vmem>>, vector<8x16xf32>
    %dot_general3A_31 = arith.constant dense<0.000000e+00> : vector<4096x16xf32>
    %dot_general3A_32 = tpu.matmul %max3A_27, %get3A_30, %dot_general3A_31 {dimension_numbers = #tpu.dot_dimension_numbers<[1], [0], [0], [1], [0, 0, 1, 1], [], []>, transpose_lhs_hint = false} : vector<4096x8xf32>, vector<8x16xf32>, vector<4096x16xf32> -> vector<4096x16xf32>
    %get3A_33 = arith.constant 0 : index
    %get3A_34 = arith.constant 0 : index
    %get3A_35 = vector.load %arg9[%get3A_33, %get3A_34] : memref<1x16xf32, #tpu.memory_space<vmem>>, vector<1x16xf32>
    %add3A_36 = vector.broadcast %get3A_35 : vector<1x16xf32> to vector<4096x16xf32>
    %add3A_37 = arith.addf %dot_general3A_32, %add3A_36 : vector<4096x16xf32>
    %max3A_38 = arith.constant 0.000000e+00 : f32
    %max3A_39 = vector.broadcast %max3A_38 : f32 to vector<4096x16xf32>
    %max3A_40 = arith.maximumf %add3A_37, %max3A_39 : vector<4096x16xf32>
    %iota3A = tpu.iota {dimensions = array<i32: 1>} : vector<32x512xi32>
    %iota3A_41 = tpu.iota {dimensions = array<i32: 0>} : vector<32x512xi32>
    %shift_right_arithmetic3A = arith.constant 4 : i32
    %shift_right_arithmetic3A_42 = vector.broadcast %shift_right_arithmetic3A : i32 to vector<32x512xi32>
    %shift_right_arithmetic3A_43 = arith.shrsi %iota3A, %shift_right_arithmetic3A_42 : vector<32x512xi32>
    %eq3A = arith.cmpi eq, %shift_right_arithmetic3A_43, %iota3A_41 : vector<32x512xi32>
    %jit3A = arith.constant 1.000000e+00 : f32
    %jit3A_44 = arith.constant 0.000000e+00 : f32
    %broadcast_in_dim3A = vector.broadcast %jit3A : f32 to vector<32x512xf32>
    %broadcast_in_dim3A_45 = vector.broadcast %jit3A_44 : f32 to vector<32x512xf32>
    %select_n3A = arith.select %eq3A, %broadcast_in_dim3A, %broadcast_in_dim3A_45 : vector<32x512xi1>, vector<32x512xf32>
    %iota3A_46 = tpu.iota {dimensions = array<i32: 1>} : vector<16x512xi32>
    %iota3A_47 = tpu.iota {dimensions = array<i32: 0>} : vector<16x512xi32>
    %and3A = arith.constant 15 : i32
    %and3A_48 = vector.broadcast %and3A : i32 to vector<16x512xi32>
    %and3A_49 = arith.andi %iota3A_46, %and3A_48 : vector<16x512xi32>
    %eq3A_50 = arith.cmpi eq, %and3A_49, %iota3A_47 : vector<16x512xi32>
    %jit3A_51 = arith.constant 1.000000e+00 : f32
    %jit3A_52 = arith.constant 0.000000e+00 : f32
    %broadcast_in_dim3A_53 = vector.broadcast %jit3A_51 : f32 to vector<16x512xf32>
    %broadcast_in_dim3A_54 = vector.broadcast %jit3A_52 : f32 to vector<16x512xf32>
    %select_n3A_55 = arith.select %eq3A_50, %broadcast_in_dim3A_53, %broadcast_in_dim3A_54 : vector<16x512xi1>, vector<16x512xf32>
    %reshape3A = vector.shape_cast %max3A_40 : vector<4096x16xf32> to vector<256x16x16xf32>
    %reduce_sum3A = arith.constant dense<0.000000e+00> : vector<256x16xf32>
    %reduce_sum3A_56 = vector.multi_reduction <add>, %reshape3A, %reduce_sum3A [1] : vector<256x16x16xf32> to vector<256x16xf32>
    %get3A_57 = arith.constant 0 : index
    %get3A_58 = arith.constant 0 : index
    %get3A_59 = vector.load %arg3[%get3A_57, %get3A_58] : memref<256x32xf32, #tpu.memory_space<vmem>>, vector<256x32xf32>
    %dot_general3A_60 = arith.constant dense<0.000000e+00> : vector<256x512xf32>
    %dot_general3A_61 = tpu.matmul %get3A_59, %select_n3A, %dot_general3A_60 {dimension_numbers = #tpu.dot_dimension_numbers<[1], [0], [0], [1], [0, 0, 1, 1], [], []>, transpose_lhs_hint = false} : vector<256x32xf32>, vector<32x512xf32>, vector<256x512xf32> -> vector<256x512xf32>
    %dot_general3A_62 = arith.constant dense<0.000000e+00> : vector<256x512xf32>
    %dot_general3A_63 = tpu.matmul %reduce_sum3A_56, %select_n3A_55, %dot_general3A_62 {dimension_numbers = #tpu.dot_dimension_numbers<[1], [0], [0], [1], [0, 0, 1, 1], [], []>, transpose_lhs_hint = false} : vector<256x16xf32>, vector<16x512xf32>, vector<256x512xf32> -> vector<256x512xf32>
    %mul3A = arith.mulf %dot_general3A_61, %dot_general3A_63 : vector<256x512xf32>
    %get3A_64 = arith.constant 0 : index
    %get3A_65 = arith.constant 3 : index
    %get3A_66 = vector.load %arg1[%get3A_64, %get3A_65] : memref<4096x48xf32, #tpu.memory_space<vmem>>, vector<4096x32xf32>
    %dot_general3A_67 = arith.constant dense<0.000000e+00> : vector<4096x512xf32>
    %dot_general3A_68 = tpu.matmul %get3A_66, %select_n3A, %dot_general3A_67 {dimension_numbers = #tpu.dot_dimension_numbers<[1], [0], [0], [1], [0, 0, 1, 1], [], []>, transpose_lhs_hint = false} : vector<4096x32xf32>, vector<32x512xf32>, vector<4096x512xf32> -> vector<4096x512xf32>
    %dot_general3A_69 = arith.constant dense<0.000000e+00> : vector<4096x512xf32>
    %dot_general3A_70 = tpu.matmul %max3A_40, %select_n3A_55, %dot_general3A_69 {dimension_numbers = #tpu.dot_dimension_numbers<[1], [0], [0], [1], [0, 0, 1, 1], [], []>, transpose_lhs_hint = false} : vector<4096x16xf32>, vector<16x512xf32>, vector<4096x512xf32> -> vector<4096x512xf32>
    %mul3A_71 = arith.mulf %dot_general3A_68, %dot_general3A_70 : vector<4096x512xf32>
    %reshape3A_72 = vector.shape_cast %mul3A_71 : vector<4096x512xf32> to vector<256x16x512xf32>
    %reduce_sum3A_73 = arith.constant dense<0.000000e+00> : vector<256x512xf32>
    %reduce_sum3A_74 = vector.multi_reduction <add>, %reshape3A_72, %reduce_sum3A_73 [1] : vector<256x16x512xf32> to vector<256x512xf32>
    %get3A_75 = arith.constant 0 : index
    %get3A_76 = arith.constant 0 : index
    %get3A_77 = vector.load %arg10[%get3A_75, %get3A_76] : memref<1024x32xf32, #tpu.memory_space<vmem>>, vector<1024x32xf32>
    %slice3A = vector.extract_strided_slice %get3A_77 {offsets = [0, 0], sizes = [512, 32], strides = [1, 1]} : vector<1024x32xf32> to vector<512x32xf32>
    %dot_general3A_78 = arith.constant dense<0.000000e+00> : vector<256x32xf32>
    %dot_general3A_79 = tpu.matmul %mul3A, %slice3A, %dot_general3A_78 {dimension_numbers = #tpu.dot_dimension_numbers<[1], [0], [0], [1], [0, 0, 1, 1], [], []>, transpose_lhs_hint = false} : vector<256x512xf32>, vector<512x32xf32>, vector<256x32xf32> -> vector<256x32xf32>
    %slice3A_80 = vector.extract_strided_slice %get3A_77 {offsets = [512, 0], sizes = [512, 32], strides = [1, 1]} : vector<1024x32xf32> to vector<512x32xf32>
    %dot_general3A_81 = arith.constant dense<0.000000e+00> : vector<256x32xf32>
    %dot_general3A_82 = tpu.matmul %reduce_sum3A_74, %slice3A_80, %dot_general3A_81 {dimension_numbers = #tpu.dot_dimension_numbers<[1], [0], [0], [1], [0, 0, 1, 1], [], []>, transpose_lhs_hint = false} : vector<256x512xf32>, vector<512x32xf32>, vector<256x32xf32> -> vector<256x32xf32>
    %add3A_83 = arith.addf %dot_general3A_79, %dot_general3A_82 : vector<256x32xf32>
    %get3A_84 = arith.constant 0 : index
    %get3A_85 = arith.constant 0 : index
    %get3A_86 = vector.load %arg11[%get3A_84, %get3A_85] : memref<1x32xf32, #tpu.memory_space<vmem>>, vector<1x32xf32>
    %add3A_87 = vector.broadcast %get3A_86 : vector<1x32xf32> to vector<256x32xf32>
    %add3A_88 = arith.addf %add3A_83, %add3A_87 : vector<256x32xf32>
    %ge3A = arith.constant 0.000000e+00 : f32
    %ge3A_89 = vector.broadcast %ge3A : f32 to vector<256x32xf32>
    %ge3A_90 = arith.cmpf oge, %add3A_88, %ge3A_89 : vector<256x32xf32>
    %mul3A_91 = arith.constant 1.000000e-01 : f32
    %mul3A_92 = vector.broadcast %mul3A_91 : f32 to vector<256x32xf32>
    %mul3A_93 = arith.mulf %mul3A_92, %add3A_88 : vector<256x32xf32>
    %select_n3A_94 = arith.select %ge3A_90, %add3A_88, %mul3A_93 : vector<256x32xi1>, vector<256x32xf32>
    %swap3A = arith.constant 0 : index
    %swap3A_95 = arith.constant 0 : index
    %swap3A_96 = vector.load %arg12[%swap3A, %swap3A_95] : memref<256x32xf32, #tpu.memory_space<vmem>>, vector<256x32xf32>
    tpu.vector_store %arg12[%swap3A, %swap3A_95], %select_n3A_94 {strides = array<i32>} : memref<256x32xf32, #tpu.memory_space<vmem>>, vector<256x32xf32>,
    return
  }
  func.func @transform_0(%arg0: i32) -> (i32, i32) {
    %c0_i32 = arith.constant 0 : i32
    %c0_i32_0 = arith.constant 0 : i32
    return %arg0, %c0_i32 : i32, i32
  }
  func.func @transform_1(%arg0: i32) -> (i32, i32) {
    %c0_i32 = arith.constant 0 : i32
    %c0_i32_0 = arith.constant 0 : i32
    return %arg0, %c0_i32 : i32, i32
  }
  func.func @transform_2(%arg0: i32) -> (i32, i32) {
    %c0_i32 = arith.constant 0 : i32
    %c0_i32_0 = arith.constant 0 : i32
    return %arg0, %c0_i32 : i32, i32
  }
  func.func @transform_3(%arg0: i32) -> (i32, i32) {
    %c0_i32 = arith.constant 0 : i32
    %c0_i32_0 = arith.constant 0 : i32
    %c0_i32_1 = arith.constant 0 : i32
    return %c0_i32, %c0_i32_0 : i32, i32
  }
  func.func @transform_4(%arg0: i32) -> (i32, i32) {
    %c0_i32 = arith.constant 0 : i32
    %c0_i32_0 = arith.constant 0 : i32
    %c0_i32_1 = arith.constant 0 : i32
    return %c0_i32, %c0_i32_0 : i32, i32
  }
  func.func @transform_5(%arg0: i32) -> (i32, i32) {
    %c0_i32 = arith.constant 0 : i32
    %c0_i32_0 = arith.constant 0 : i32
    %c0_i32_1 = arith.constant 0 : i32
    return %c0_i32, %c0_i32_0 : i32, i32
  }
  func.func @transform_6(%arg0: i32) -> (i32, i32) {
    %c0_i32 = arith.constant 0 : i32
    %c0_i32_0 = arith.constant 0 : i32
    %c0_i32_1 = arith.constant 0 : i32
    return %c0_i32, %c0_i32_0 : i32, i32
  }
  func.func @transform_7(%arg0: i32) -> (i32, i32) {
    %c0_i32 = arith.constant 0 : i32
    %c0_i32_0 = arith.constant 0 : i32
    %c0_i32_1 = arith.constant 0 : i32
    return %c0_i32, %c0_i32_0 : i32, i32
  }
  func.func @transform_8(%arg0: i32) -> (i32, i32) {
    %c0_i32 = arith.constant 0 : i32
    %c0_i32_0 = arith.constant 0 : i32
    %c0_i32_1 = arith.constant 0 : i32
    return %c0_i32, %c0_i32_0 : i32, i32
  }
  func.func @transform_9(%arg0: i32) -> (i32, i32) {
    %c0_i32 = arith.constant 0 : i32
    %c0_i32_0 = arith.constant 0 : i32
    %c0_i32_1 = arith.constant 0 : i32
    return %c0_i32, %c0_i32_0 : i32, i32
  }
  func.func @transform_10(%arg0: i32) -> (i32, i32) {
    %c0_i32 = arith.constant 0 : i32
    %c0_i32_0 = arith.constant 0 : i32
    %c0_i32_1 = arith.constant 0 : i32
    return %c0_i32, %c0_i32_0 : i32, i32
  }
  func.func @transform_11(%arg0: i32) -> (i32, i32) {
    %c0_i32 = arith.constant 0 : i32
    %c0_i32_0 = arith.constant 0 : i32
    return %arg0, %c0_i32 : i32, i32
  }
}

module attributes {stable_mosaic.version = 14 : i64} {
  func.func @_agg_body(%arg0: i32, %arg1: memref<4096x48xf32, #tpu.memory_space<vmem>>, %arg2: memref<4096x3xf32, #tpu.memory_space<vmem>>, %arg3: memref<256x32xf32, #tpu.memory_space<vmem>>, %arg4: memref<3x8xf32, #tpu.memory_space<vmem>>, %arg5: memref<1x8xf32, #tpu.memory_space<vmem>>, %arg6: memref<8x8xf32, #tpu.memory_space<vmem>>, %arg7: memref<1x8xf32, #tpu.memory_space<vmem>>, %arg8: memref<8x16xf32, #tpu.memory_space<vmem>>, %arg9: memref<1x16xf32, #tpu.memory_space<vmem>>, %arg10: memref<1024x32xf32, #tpu.memory_space<vmem>>, %arg11: memref<1x32xf32, #tpu.memory_space<vmem>>, %arg12: memref<256x32xf32, #tpu.memory_space<vmem>>) attributes {dimension_semantics = [#tpu.dimension_semantics<arbitrary>], iteration_bounds = array<i64: 32>, scalar_prefetch = 0 : i64, scratch_operands = 0 : i64, tpu.core_type = #tpu.core_type<tc>, window_params = [{transform_indices = @transform_0, window_bounds = array<i64: 4096, 48>}, {transform_indices = @transform_1, window_bounds = array<i64: 4096, 3>}, {transform_indices = @transform_2, window_bounds = array<i64: 256, 32>}, {pipeline_mode = #tpu.pipeline_mode<synchronous>, transform_indices = @transform_3, window_bounds = array<i64: 3, 8>}, {pipeline_mode = #tpu.pipeline_mode<synchronous>, transform_indices = @transform_4, window_bounds = array<i64: 1, 8>}, {pipeline_mode = #tpu.pipeline_mode<synchronous>, transform_indices = @transform_5, window_bounds = array<i64: 8, 8>}, {pipeline_mode = #tpu.pipeline_mode<synchronous>, transform_indices = @transform_6, window_bounds = array<i64: 1, 8>}, {pipeline_mode = #tpu.pipeline_mode<synchronous>, transform_indices = @transform_7, window_bounds = array<i64: 8, 16>}, {pipeline_mode = #tpu.pipeline_mode<synchronous>, transform_indices = @transform_8, window_bounds = array<i64: 1, 16>}, {pipeline_mode = #tpu.pipeline_mode<synchronous>, transform_indices = @transform_9, window_bounds = array<i64: 1024, 32>}, {pipeline_mode = #tpu.pipeline_mode<synchronous>, transform_indices = @transform_10, window_bounds = array<i64: 1, 32>}, {transform_indices = @transform_11, window_bounds = array<i64: 256, 32>}]} {
    %get3A = arith.constant 0 : index
    %get3A_0 = arith.constant 0 : index
    %get3A_1 = vector.load %arg1[%get3A, %get3A_0] : memref<4096x48xf32, #tpu.memory_space<vmem>>, vector<4096x3xf32>
    %get3A_2 = arith.constant 0 : index
    %get3A_3 = arith.constant 0 : index
    %get3A_4 = vector.load %arg2[%get3A_2, %get3A_3] : memref<4096x3xf32, #tpu.memory_space<vmem>>, vector<4096x3xf32>
    %sub3A = arith.subf %get3A_1, %get3A_4 : vector<4096x3xf32>
    %get3A_5 = arith.constant 0 : index
    %get3A_6 = arith.constant 0 : index
    %get3A_7 = vector.load %arg4[%get3A_5, %get3A_6] : memref<3x8xf32, #tpu.memory_space<vmem>>, vector<3x8xf32>
    %dot_general3A = arith.constant dense<0.000000e+00> : vector<4096x8xf32>
    %dot_general3A_8 = tpu.matmul %sub3A, %get3A_7, %dot_general3A {dimension_numbers = #tpu.dot_dimension_numbers<[1], [0], [0], [1], [0, 0, 1, 1], [], []>, transpose_lhs_hint = false} : vector<4096x3xf32>, vector<3x8xf32>, vector<4096x8xf32> -> vector<4096x8xf32>
    %get3A_9 = arith.constant 0 : index
    %get3A_10 = arith.constant 0 : index
    %get3A_11 = vector.load %arg5[%get3A_9, %get3A_10] : memref<1x8xf32, #tpu.memory_space<vmem>>, vector<1x8xf32>
    %add3A = vector.broadcast %get3A_11 : vector<1x8xf32> to vector<4096x8xf32>
    %add3A_12 = arith.addf %dot_general3A_8, %add3A : vector<4096x8xf32>
    %max3A = arith.constant 0.000000e+00 : f32
    %max3A_13 = vector.broadcast %max3A : f32 to vector<4096x8xf32>
    %max3A_14 = arith.maximumf %add3A_12, %max3A_13 : vector<4096x8xf32>
    %get3A_15 = arith.constant 0 : index
    %get3A_16 = arith.constant 0 : index
    %get3A_17 = vector.load %arg6[%get3A_15, %get3A_16] : memref<8x8xf32, #tpu.memory_space<vmem>>, vector<8x8xf32>
    %dot_general3A_18 = arith.constant dense<0.000000e+00> : vector<4096x8xf32>
    %dot_general3A_19 = tpu.matmul %max3A_14, %get3A_17, %dot_general3A_18 {dimension_numbers = #tpu.dot_dimension_numbers<[1], [0], [0], [1], [0, 0, 1, 1], [], []>, transpose_lhs_hint = false} : vector<4096x8xf32>, vector<8x8xf32>, vector<4096x8xf32> -> vector<4096x8xf32>
    %get3A_20 = arith.constant 0 : index
    %get3A_21 = arith.constant 0 : index
    %get3A_22 = vector.load %arg7[%get3A_20, %get3A_21] : memref<1x8xf32, #tpu.memory_space<vmem>>, vector<1x8xf32>
    %add3A_23 = vector.broadcast %get3A_22 : vector<1x8xf32> to vector<4096x8xf32>
    %add3A_24 = arith.addf %dot_general3A_19, %add3A_23 : vector<4096x8xf32>
    %max3A_25 = arith.constant 0.000000e+00 : f32
    %max3A_26 = vector.broadcast %max3A_25 : f32 to vector<4096x8xf32>
    %max3A_27 = arith.maximumf %add3A_24, %max3A_26 : vector<4096x8xf32>
    %get3A_28 = arith.constant 0 : index
    %get3A_29 = arith.constant 0 : index
    %get3A_30 = vector.load %arg8[%get3A_28, %get3A_29] : memref<8x16xf32, #tpu.memory_space<vmem>>, vector<8x16xf32>
    %dot_general3A_31 = arith.constant dense<0.000000e+00> : vector<4096x16xf32>
    %dot_general3A_32 = tpu.matmul %max3A_27, %get3A_30, %dot_general3A_31 {dimension_numbers = #tpu.dot_dimension_numbers<[1], [0], [0], [1], [0, 0, 1, 1], [], []>, transpose_lhs_hint = false} : vector<4096x8xf32>, vector<8x16xf32>, vector<4096x16xf32> -> vector<4096x16xf32>
    %get3A_33 = arith.constant 0 : index
    %get3A_34 = arith.constant 0 : index
    %get3A_35 = vector.load %arg9[%get3A_33, %get3A_34] : memref<1x16xf32, #tpu.memory_space<vmem>>, vector<1x16xf32>
    %add3A_36 = vector.broadcast %get3A_35 : vector<1x16xf32> to vector<4096x16xf32>
    %add3A_37 = arith.addf %dot_general3A_32, %add3A_36 : vector<4096x16xf32>
    %max3A_38 = arith.constant 0.000000e+00 : f32
    %max3A_39 = vector.broadcast %max3A_38 : f32 to vector<4096x16xf32>
    %max3A_40 = arith.maximumf %add3A_37, %max3A_39 : vector<4096x16xf32>
    %iota3A = tpu.iota {dimensions = array<i32: 1>} : vector<32x512xi32>
    %iota3A_41 = tpu.iota {dimensions = array<i32: 0>} : vector<32x512xi32>
    %shift_right_arithmetic3A = arith.constant 4 : i32
    %shift_right_arithmetic3A_42 = vector.broadcast %shift_right_arithmetic3A : i32 to vector<32x512xi32>
    %shift_right_arithmetic3A_43 = arith.shrsi %iota3A, %shift_right_arithmetic3A_42 : vector<32x512xi32>
    %eq3A = arith.cmpi eq, %shift_right_arithmetic3A_43, %iota3A_41 : vector<32x512xi32>
    %jit3A = arith.constant 1.000000e+00 : f32
    %jit3A_44 = arith.constant 0.000000e+00 : f32
    %broadcast_in_dim3A = vector.broadcast %jit3A : f32 to vector<32x512xf32>
    %broadcast_in_dim3A_45 = vector.broadcast %jit3A_44 : f32 to vector<32x512xf32>
    %select_n3A = arith.select %eq3A, %broadcast_in_dim3A, %broadcast_in_dim3A_45 : vector<32x512xi1>, vector<32x512xf32>
    %iota3A_46 = tpu.iota {dimensions = array<i32: 1>} : vector<16x512xi32>
    %iota3A_47 = tpu.iota {dimensions = array<i32: 0>} : vector<16x512xi32>
    %and3A = arith.constant 15 : i32
    %and3A_48 = vector.broadcast %and3A : i32 to vector<16x512xi32>
    %and3A_49 = arith.andi %iota3A_46, %and3A_48 : vector<16x512xi32>
    %eq3A_50 = arith.cmpi eq, %and3A_49, %iota3A_47 : vector<16x512xi32>
    %jit3A_51 = arith.constant 1.000000e+00 : f32
    %jit3A_52 = arith.constant 0.000000e+00 : f32
    %broadcast_in_dim3A_53 = vector.broadcast %jit3A_51 : f32 to vector<16x512xf32>
    %broadcast_in_dim3A_54 = vector.broadcast %jit3A_52 : f32 to vector<16x512xf32>
    %select_n3A_55 = arith.select %eq3A_50, %broadcast_in_dim3A_53, %broadcast_in_dim3A_54 : vector<16x512xi1>, vector<16x512xf32>
    %reshape3A = vector.shape_cast %max3A_40 : vector<4096x16xf32> to vector<256x16x16xf32>
    %reduce_sum3A = arith.constant dense<0.000000e+00> : vector<256x16xf32>
    %reduce_sum3A_56 = vector.multi_reduction <add>, %reshape3A, %reduce_sum3A [1] : vector<256x16x16xf32> to vector<256x16xf32>
    %get3A_57 = arith.constant 0 : index
    %get3A_58 = arith.constant 0 : index
    %get3A_59 = vector.load %arg3[%get3A_57, %get3A_58] : memref<256x32xf32, #tpu.memory_space<vmem>>, vector<256x32xf32>
    %dot_general3A_60 = arith.constant dense<0.000000e+00> : vector<256x512xf32>
    %dot_general3A_61 = tpu.matmul %get3A_59, %select_n3A, %dot_general3A_60 {dimension_numbers = #tpu.dot_dimension_numbers<[1], [0], [0], [1], [0, 0, 1, 1], [], []>, transpose_lhs_hint = false} : vector<256x32xf32>, vector<32x512xf32>, vector<256x512xf32> -> vector<256x512xf32>
    %dot_general3A_62 = arith.constant dense<0.000000e+00> : vector<256x512xf32>
    %dot_general3A_63 = tpu.matmul %reduce_sum3A_56, %select_n3A_55, %dot_general3A_62 {dimension_numbers = #tpu.dot_dimension_numbers<[1], [0], [0], [1], [0, 0, 1, 1], [], []>, transpose_lhs_hint = false} : vector<256x16xf32>, vector<16x512xf32>, vector<256x512xf32> -> vector<256x512xf32>
    %mul3A = arith.mulf %dot_general3A_61, %dot_general3A_63 : vector<256x512xf32>
    %get3A_64 = arith.constant 0 : index
    %get3A_65 = arith.constant 3 : index
    %get3A_66 = vector.load %arg1[%get3A_64, %get3A_65] : memref<4096x48xf32, #tpu.memory_space<vmem>>, vector<4096x32xf32>
    %dot_general3A_67 = arith.constant dense<0.000000e+00> : vector<4096x512xf32>
    %dot_general3A_68 = tpu.matmul %get3A_66, %select_n3A, %dot_general3A_67 {dimension_numbers = #tpu.dot_dimension_numbers<[1], [0], [0], [1], [0, 0, 1, 1], [], []>, transpose_lhs_hint = false} : vector<4096x32xf32>, vector<32x512xf32>, vector<4096x512xf32> -> vector<4096x512xf32>
    %dot_general3A_69 = arith.constant dense<0.000000e+00> : vector<4096x512xf32>
    %dot_general3A_70 = tpu.matmul %max3A_40, %select_n3A_55, %dot_general3A_69 {dimension_numbers = #tpu.dot_dimension_numbers<[1], [0], [0], [1], [0, 0, 1, 1], [], []>, transpose_lhs_hint = false} : vector<4096x16xf32>, vector<16x512xf32>, vector<4096x512xf32> -> vector<4096x512xf32>
    %mul3A_71 = arith.mulf %dot_general3A_68, %dot_general3A_70 : vector<4096x512xf32>
    %reshape3A_72 = vector.shape_cast %mul3A_71 : vector<4096x512xf32> to vector<256x16x512xf32>
    %reduce_sum3A_73 = arith.constant dense<0.000000e+00> : vector<256x512xf32>
    %reduce_sum3A_74 = vector.multi_reduction <add>, %reshape3A_72, %reduce_sum3A_73 [1] : vector<256x16x512xf32> to vector<256x512xf32>
    %get3A_75 = arith.constant 0 : index
    %get3A_76 = arith.constant 0 : index
    %get3A_77 = vector.load %arg10[%get3A_75, %get3A_76] : memref<1024x32xf32, #tpu.memory_space<vmem>>, vector<1024x32xf32>
    %slice3A = vector.extract_strided_slice %get3A_77 {offsets = [0, 0], sizes = [512, 32], strides = [1, 1]} : vector<1024x32xf32> to vector<512x32xf32>
    %dot_general3A_78 = arith.constant dense<0.000000e+00> : vector<256x32xf32>
    %dot_general3A_79 = tpu.matmul %mul3A, %slice3A, %dot_general3A_78 {dimension_numbers = #tpu.dot_dimension_numbers<[1], [0], [0], [1], [0, 0, 1, 1], [], []>, transpose_lhs_hint = false} : vector<256x512xf32>, vector<512x32xf32>, vector<256x32xf32> -> vector<256x32xf32>
    %slice3A_80 = vector.extract_strided_slice %get3A_77 {offsets = [512, 0], sizes = [512, 32], strides = [1, 1]} : vector<1024x32xf32> to vector<512x32xf32>
    %dot_general3A_81 = arith.constant dense<0.000000e+00> : vector<256x32xf32>
    %dot_general3A_82 = tpu.matmul %reduce_sum3A_74, %slice3A_80, %dot_general3A_81 {dimension_numbers = #tpu.dot_dimension_numbers<[1], [0], [0], [1], [0, 0, 1, 1], [], []>, transpose_lhs_hint = false} : vector<256x512xf32>, vector<512x32xf32>, vector<256x32xf32> -> vector<256x32xf32>
    %add3A_83 = arith.addf %dot_general3A_79, %dot_general3A_82 : vector<256x32xf32>
    %get3A_84 = arith.constant 0 : index
    %get3A_85 = arith.constant 0 : index
    %get3A_86 = vector.load %arg11[%get3A_84, %get3A_85] : memref<1x32xf32, #tpu.memory_space<vmem>>, vector<1x32xf32>
    %add3A_87 = vector.broadcast %get3A_86 : vector<1x32xf32> to vector<256x32xf32>
    %add3A_88 = arith.addf %add3A_83, %add3A_87 : vector<256x32xf32>
    %ge3A = arith.constant 0.000000e+00 : f32
    %ge3A_89 = vector.broadcast %ge3A : f32 to vector<256x32xf32>
    %ge3A_90 = arith.cmpf oge, %add3A_88, %ge3A_89 : vector<256x32xf32>
    %mul3A_91 = arith.constant 1.000000e-01 : f32
    %mul3A_92 = vector.broadcast %mul3A_91 : f32 to vector<256x32xf32>
    %mul3A_93 = arith.mulf %mul3A_92, %add3A_88 : vector<256x32xf32>
    %select_n3A_94 = arith.select %ge3A_90, %add3A_88, %mul3A_93 : vector<256x32xi1>, vector<256x32xf32>
    %swap3A = arith.constant 0 : index
    %swap3A_95 = arith.constant 0 : index
    %swap3A_96 = vector.load %arg12[%swap3A, %swap3A_95] : memref<256x32xf32, #tpu.memory_space<vmem>>, vector<256x32xf32>
    tpu.vector_store %arg12[%swap3A, %swap3A_95], %select_n3A_94 {strides = array<i32>} : memref<256x32xf32, #tpu.memory_space<vmem>>, vector<256x32xf32>,
    return
  }
  func.func @transform_0(%arg0: i32) -> (i32, i32) {
    %c0_i32 = arith.constant 0 : i32
    %c0_i32_0 = arith.constant 0 : i32
    return %arg0, %c0_i32 : i32, i32
  }
  func.func @transform_1(%arg0: i32) -> (i32, i32) {
    %c0_i32 = arith.constant 0 : i32
    %c0_i32_0 = arith.constant 0 : i32
    return %arg0, %c0_i32 : i32, i32
  }
  func.func @transform_2(%arg0: i32) -> (i32, i32) {
    %c0_i32 = arith.constant 0 : i32
    %c0_i32_0 = arith.constant 0 : i32
    return %arg0, %c0_i32 : i32, i32
  }
  func.func @transform_3(%arg0: i32) -> (i32, i32) {
    %c0_i32 = arith.constant 0 : i32
    %c0_i32_0 = arith.constant 0 : i32
    %c0_i32_1 = arith.constant 0 : i32
    return %c0_i32, %c0_i32_0 : i32, i32
  }
  func.func @transform_4(%arg0: i32) -> (i32, i32) {
    %c0_i32 = arith.constant 0 : i32
    %c0_i32_0 = arith.constant 0 : i32
    %c0_i32_1 = arith.constant 0 : i32
    return %c0_i32, %c0_i32_0 : i32, i32
  }
  func.func @transform_5(%arg0: i32) -> (i32, i32) {
    %c0_i32 = arith.constant 0 : i32
    %c0_i32_0 = arith.constant 0 : i32
    %c0_i32_1 = arith.constant 0 : i32
    return %c0_i32, %c0_i32_0 : i32, i32
  }
  func.func @transform_6(%arg0: i32) -> (i32, i32) {
    %c0_i32 = arith.constant 0 : i32
    %c0_i32_0 = arith.constant 0 : i32
    %c0_i32_1 = arith.constant 0 : i32
    return %c0_i32, %c0_i32_0 : i32, i32
  }
  func.func @transform_7(%arg0: i32) -> (i32, i32) {
    %c0_i32 = arith.constant 0 : i32
    %c0_i32_0 = arith.constant 0 : i32
    %c0_i32_1 = arith.constant 0 : i32
    return %c0_i32, %c0_i32_0 : i32, i32
  }
  func.func @transform_8(%arg0: i32) -> (i32, i32) {
    %c0_i32 = arith.constant 0 : i32
    %c0_i32_0 = arith.constant 0 : i32
    %c0_i32_1 = arith.constant 0 : i32
    return %c0_i32, %c0_i32_0 : i32, i32
  }
  func.func @transform_9(%arg0: i32) -> (i32, i32) {
    %c0_i32 = arith.constant 0 : i32
    %c0_i32_0 = arith.constant 0 : i32
    %c0_i32_1 = arith.constant 0 : i32
    return %c0_i32, %c0_i32_0 : i32, i32
  }
  func.func @transform_10(%arg0: i32) -> (i32, i32) {
    %c0_i32 = arith.constant 0 : i32
    %c0_i32_0 = arith.constant 0 : i32
    %c0_i32_1 = arith.constant 0 : i32
    return %c0_i32, %c0_i32_0 : i32, i32
  }
  func.func @transform_11(%arg0: i32) -> (i32, i32) {
    %c0_i32 = arith.constant 0 : i32
    %c0_i32_0 = arith.constant 0 : i32
    return %arg0, %c0_i32 : i32, i32
  }
}

</mosaic_0001>

<sc_bundles>
// kernel: kernel.10.cloned.1.call-start
scs
__scs_entry_jumppad:
0x0: {  	(pc) =	sbr.rel $0x88, $3  }
0x1: {  	(tag) =	ssettag $0x0;
	lr =	simm.s32 $0x1  }
0x2: {  	[smem:$0x3F8D] =	sst lr;
	_ =	strace $0xD0000000  }
0x3: {  	_ = 	snop  }
0x4: {  	_ = 	snop  }
0x5: {  	_ = 	snop  }
0x6: {  	_ = 	snop  }
0x7: {  	_ = 	snop  }
__scs_overlays_trampoline_lowered:
0x8: {  	[smem:$0x3F9C] =	sst s0  }
0x9: {  	[smem:$0x3F9D] =	sst s1  }
0xa: {  	[smem:$0x3F9E] =	sst s2  }
0xb: {  	[smem:$0x3F9F] =	sst s3  }
0xc: {  	[smem:$0x3FA0] =	sst s4  }
0xd: {  	[smem:$0x3FA1] =	sst s5  }
0xe: {  	[smem:$0x3FA2] =	sst s6  }
0xf: {  	[smem:$0x3FA3] =	sst s7  }
0x10: {  	[smem:$0x3FA4] =	sst s8  }
0x11: {  	[smem:$0x3FA5] =	sst s9;
	s0 =	simm.s32 @!p0 $0x0  }
0x12: {  	s1 =	sld [smem:$0x3F8B];
	s0 =	simm.s32 @p0 $0x1  }
0x13: {  	[smem:$0x3FA6] =	sst s0;
	s0 =	simm.s32 @!p1 $0x0  }
0x14: {  	s2 =	sld [smem:$0x3F8A];
	s0 =	simm.s32 @p1 $0x1  }
0x15: {  	[smem:$0x3FA7] =	sst s0;
	s0 =	simm.s32 @!p2 $0x0  }
0x16: {  	s3 =	sld [smem:$0x3FDB];
	s0 =	simm.s32 @p2 $0x1  }
0x17: {  	s4 =	simm.s32 $0x1BF5;
	[smem:$0x3FA9] =	sst s0  }
0x18: {  	s0 =	sld [smem:$0x3F8C];
	_ =	swait.ge [sflag:s4], $0x0  }
0x19: {  	s7 =	sld [smem:$0x3F8D]  }
0x1a: {  	s8 =	sadd.s32 $0xFFFFE003, lr  }
0x1b: {  	s9 =	sadd.s32 $0xFFFFFEF7, lr;
	s5 =	simm.s32 $0xFFFFFFFF;
	p2 =	slt.u32 s8, $0xFFFFF086  }
0x1c: {  	p1 =	slt.u32 s9, $0xF7A;
	s5 =	simm.s32 @!p2 $0x0  }
0x1d: {  	s5 =	simm.s32 @p1 $0x1;
	p0 =	seq.s32 s7, s2  }
0x1e: {  	s7 =	smul.u32 @!p0 $0xF7A, s2;
	p2 =	seq.s32 @!p0 s5, $0x0  }
0x1f: {  	s9 =	smul.u32 $0xF7A, s1;
	s8 =	simm.s32 @!p0 $0x1BF5;
	p2 =	por !p2, p0  }
0x20: {  	[sflag:s8] =	ssyncset.s32 @!p0 $0xFFFFF086;
	s6 =	sadd.s32 @!p0 s3, s7;
	s7 =	simm.s32 @!p0 $0x108  }
0x21: {  	s3 =	sadd.s32 s3, s9;
	s6 =	sadd.s32 @!p0 $0x88, s6;
	s7 =	simm.s32 @p2 $0x1082  }
0x22: {  	[simem:s7], [sflag:s8] =	dma.local @!p0 [hbm:s6], $0xF7A  }
0x23: {  	s9 =	sor.u32 $0xD0000000, s2;
	s6 =	simm.s32 $0x108;
	_ =	swait.ge @!p0 [sflag:s8], $0x0  }
0x24: {  	s3 =	sadd.s32 $0x88, s3;
	s6 =	simm.s32 @!p1 $0x1082;
	[sflag:s4] =	ssyncset.s32 $0xFFFFF086  }
0x25: {  	[simem:s6], [sflag:s4] =	dma.local [hbm:s3], $0xF7A  }
0x26: {  	[smem:$0x3F8D] =	sst s1;
	(tag) =	ssettag s2;
	_ =	strace s9  }
0x27: {  	s1 =	sld [smem:$0x3F9D]  }
0x28: {  	s2 =	sld [smem:$0x3F9E]  }
0x29: {  	s4 =	sld [smem:$0x3FA0]  }
0x2a: {  	p0 =	seq.s32 s5, $0x0;
	s5 =	sld [smem:$0x3FA1]  }
0x2b: {  	s6 =	sld [smem:$0x3FA2]  }
0x2c: {  	s7 =	sld [smem:$0x3FA3]  }
0x2d: {  	s3 =	simm.s32 $0x108;
	s8 =	sld [smem:$0x3FA4]  }
0x2e: {  	s3 =	simm.s32 @!p0 $0x1082;
	s9 =	sld [smem:$0x3FA5]  }
0x2f: {  	lr =	sadd.s32 s0, s3;
	s0 =	sld [smem:$0x3F9C]  }
0x30: {  	s3 =	sld [smem:$0x3F9F]  }
0x31: {  	[smem:$0x3FA8] =	sst s10  }
0x32: {  	s10 =	sld [smem:$0x3FA6];
	_ =	sdelay $0x3  }
0x33: {  	p0 =	seq.s32 s10, $0x1;
	s10 =	sld [smem:$0x3FA8];
	_ =	sdelay $0x3  }
0x34: {  	[smem:$0x3FA8] =	sst s10  }
0x35: {  	s10 =	sld [smem:$0x3FA7];
	_ =	sdelay $0x3  }
0x36: {  	p1 =	seq.s32 s10, $0x1;
	s10 =	sld [smem:$0x3FA8];
	_ =	sdelay $0x3  }
0x37: {  	[smem:$0x3FA8] =	sst s10  }
0x38: {  	s10 =	sld [smem:$0x3FA9]  }
0x39: {  	_ = 	snop;
	(pc) =	sbr.ind lr, $3  }
0x3a: {  	_ = 	snop  }
0x3b: {  	_ = 	snop  }
0x3c: {  	p2 =	seq.s32 s10, $0x1;
	s10 =	sld [smem:$0x3FA8]  }
0x3d: {  	_ =	shalt  }
0x3e: {  	_ =	shalt  }
0x3f: {  	_ =	shalt  }
0x40: {  	_ =	shalt  }
0x41: {  	_ =	shalt  }
0x42: {  	_ =	shalt  }
0x43: {  	_ =	shalt  }
0x44: {  	_ =	shalt  }
0x45: {  	_ =	shalt  }
0x46: {  	_ =	shalt  }
0x47: {  	_ =	shalt  }
0x48: {  	_ =	shalt  }
0x49: {  	_ =	shalt  }
0x4a: {  	_ =	shalt  }
0x4b: {  	_ =	shalt  }
0x4c: {  	_ =	shalt  }
0x4d: {  	_ =	shalt  }
0x4e: {  	_ =	shalt  }
0x4f: {  	_ =	shalt  }
0x50: {  	_ =	shalt  }
0x51: {  	_ =	shalt  }
0x52: {  	_ =	shalt  }
0x53: {  	_ =	shalt  }
0x54: {  	_ =	shalt  }
0x55: {  	_ =	shalt  }
0x56: {  	_ =	shalt  }
0x57: {  	_ =	shalt  }
0x58: {  	_ =	shalt  }
0x59: {  	_ =	shalt  }
0x5a: {  	_ =	shalt  }
0x5b: {  	_ =	shalt  }
0x5c: {  	_ =	shalt  }
0x5d: {  	_ =	shalt  }
0x5e: {  	_ =	shalt  }
0x5f: {  	_ =	shalt  }
0x60: {  	_ =	shalt  }
0x61: {  	_ =	shalt  }
0x62: {  	_ =	shalt  }
0x63: {  	_ =	shalt  }
0x64: {  	_ =	shalt  }
0x65: {  	_ =	shalt  }
0x66: {  	_ =	shalt  }
0x67: {  	_ =	shalt  }
0x68: {  	_ =	shalt  }
0x69: {  	_ =	shalt  }
0x6a: {  	_ =	shalt  }
0x6b: {  	_ =	shalt  }
0x6c: {  	_ =	shalt  }
0x6d: {  	_ =	shalt  }
0x6e: {  	_ =	shalt  }
0x6f: {  	_ =	shalt  }
0x70: {  	_ =	shalt  }
0x71: {  	_ =	shalt  }
0x72: {  	_ =	shalt  }
0x73: {  	_ =	shalt  }
0x74: {  	_ =	shalt  }
0x75: {  	_ =	shalt  }
0x76: {  	_ =	shalt  }
0x77: {  	_ =	shalt  }
0x78: {  	_ =	shalt  }
0x79: {  	_ =	shalt  }
0x7a: {  	_ =	shalt  }
0x7b: {  	_ =	shalt  }
0x7c: {  	_ =	shalt  }
0x7d: {  	_ =	shalt  }
0x7e: {  	_ =	shalt  }
0x7f: {  	_ =	shalt  }
0x80: {  	_ =	shalt  }
0x81: {  	_ =	shalt  }
0x82: {  	_ =	shalt  }
0x83: {  	_ =	shalt  }
0x84: {  	_ =	shalt  }
0x85: {  	_ =	shalt  }
0x86: {  	_ =	shalt  }
0x87: {  	_ =	shalt  }
.Lfunc_end0:
.L_simem_size_0:
called_computation.1_lowered:
.L_overlay_start_0:
0x88: {  	s2 =	sld [smem:$0x3FD9]  }
0x89: {  	s3 =	sld [smem:$0x3FFE];
	_ =	sdelay $0x1  }
0x8a: {  	s1 =	srdreg.scid  }
0x8b: {  	s0 =	sand.u32 $0x1, s1  }
0x8c: {  	s16 =	sshll.u32 s0, $0xA;
	s2 =	sadd.s32 s3, s2  }
0x8d: {  	s2 =	sadd.s32 s2, s16  }
0x8e: {  	[smem:$0x3FB4] =	sst s2  }
0x8f: {  	_ = 	snop  }
0x90: {  	(tm) =	ssettm $0x1  }
0x91: {  	s17 =	sld [smem:$0x3FFB];
	_ =	sdelay $0x3  }
0x92: {  	_ =	strace s17  }
0x93: {  	s2 =	sld [smem:$0x3FFC];
	_ =	sdelay $0x3  }
0x94: {  	_ =	strace s2  }
0x95: {  	s2 =	sld [smem:$0x3FFD];
	_ =	sdelay $0x3  }
0x96: {  	_ =	strace s2  }
0x97: {  	_ =	strace $0x8FFFFFFF  }
0x98: {  	s18 =	sld [smem:$0x3FDB];
	_ =	sdelay $0x1  }
0x99: {  	s19 =	simm.s32 $_scs_section_size  }
0x9a: {  	s4 =	simm.s32 $_size__tile_overlayer_lowered;
	s5 =	simm.s32 $_tile_overlayer_lowered  }
0x9b: {  	s22 =	simm.s32 $0x1BFF;
	s21 =	sshll.u32 s5, $0x1;
	s2 =	sadd.s32 s19, s18  }
0x9c: {  	s6 =	simm.s32 $0x0;
	s20 =	sshll.u32 s4, $0x1;
	s4 =	sadd.s32 s21, s2  }
0x9d: {  	[timem:s6], [sflag:s22] =	dma.local [hbm:s4], s20  }
0x9e: {  	_ =	swait.ge [sflag:s22], s20  }
0x9f: {  	s3 =	ssub.s32 $0x0, s20;
	[sflag:s22] =	ssyncset.done $0x0  }
0xa0: {  	[sflag:s22] =	ssyncadd.s32 s3;
	_ =	sdelay $0x1  }
0xa1: {  	s23 =	simm.s32 $0x1B8B  }
0xa2: {  	_ =	swait.ge [sflag:s23], $0x1  }
0xa3: {  	[sflag:s23] =	ssyncset.done $0x0  }
0xa4: {  	s25 =	simm.s32 $0x1B8E;
	s24 =	sld [smem:$0x3FFE];
	[sflag:s23] =	ssyncadd.s32 $0xFFFFFFFF  }
0xa5: {  	s26 =	simm.s32 $execute0_lowered;
	[smem:$0x3FD2] =	sst s25  }
0xa6: {  	s4 =	sshll.u32 s26, $0x1;
	_ =	strace $0x80000049;
	[dreg:$0x1] =	wrdreg $0xFFFFFFFF  }
0xa7: {  	s28 =	simm.s32 $_size_execute0_lowered;
	s2 =	sadd.s32 s2, s4;
	[dreg:$0x0] =	wrdreg $0x0  }
0xa8: {  	s4 =	sshll.u32 s28, $0x1;
	[dreg:$0x2] =	wrdreg s2  }
0xa9: {  	[dreg:$0x3] =	wrdreg s4  }
0xaa: {  	[dreg:$0x4] =	wrdreg $0xC0  }
0xab: {  	_ =	task [dreg:s6], $0x5FFFF  }
0xac: {  	[dreg:$0x1] =	wrdreg $0xFFFFFFFF  }
0xad: {  	[dreg:$0x0] =	wrdreg $0x60  }
0xae: {  	[dreg:$0x2] =	wrdreg s24  }
0xaf: {  	[dreg:$0x3] =	wrdreg $0x9  }
0xb0: {  	_ =	task.clear_ibuf [dreg:s6], $0x4FFFF;
	_ =	strace $0x90000049  }
0xb1: {  	s29 =	simm.s32 $0x9;
	_ =	strace $0x8000004B  }
0xb2: {  	_ =	swait.ge [sflag:s29], $0x1  }
0xb3: {  	[sflag:s29] =	ssyncadd.s32 $0xFFFFFFFF  }
0xb4: {  	_ =	strace $0x9000004B  }
0xb5: {  	_ =	sfence  }
0xb6: {  	s30 =	sld [smem:$0x0];
	_ =	sdelay $0x2  }
0xb7: {  	s31 =	sshll.u32 s1, $0xD;
	s1 =	sshrl.u32 s1, $0x2  }
0xb8: {  	s3 =	sand.u32 $0x4000, s31;
	s1 =	sadd.s32 s1, s30  }
0xb9: {  	s0 =	sor.u32 s3, s0;
	s1 =	sshll.u32 s1, $0x11  }
0xba: {  	s0 =	sor.u32 s1, s0  }
0xbb: {  	s0 =	sadd.s32 $0x8F2B, s0  }
0xbc: {  	[sflag:s0] =	ssyncadd.remote.s32 $0x1  }
0xbd: {  	_ =	sfence.sel $0xFFFF  }
0xbe: {  	[dreg:$0x0] =	wrdreg $0xFFFFFFFF;
	(pc) =	sbr.abs _section_cstart, $3  }
0xbf: {  	[dreg:$0x1] =	wrdreg $0xFFFFFFFF  }
0xc0: {  	_ =	task.clear_ibuf [dreg:s6], $0x2FFFF;
	_ =	strace $0x9FFFFFFF  }
0xc1: {  	(tm) =	ssettm $0x7FFFFFFF  }
tec
execute0_lowered:
.L_overlay_start_1:
0x0: {  	(tag) =	ssettag $0x1  }
0x1: {  	s4 =	rddreg [dreg:$0x0]  }
0x2: {  	s0 =	rddreg [dreg:$0x1];
	s2 =	simm.s32 $0x0;
	s5 =	srdreg.scid  }
0x3: {  	s1 =	stileid.u32;
	s10 =	simm.s32 $0x0;
	[smem:$0x7FF] =	sst s2  }
0x4: {  	s3 =	sadd.s32 $0x3C00, s4;
	s5 =	sand.u32 $0x1, s5;
	s6 =	sshll.u32 s1, $0xD  }
0x5: {  	s8 =	smul.u32 $0xC000, s1;
	_ =	strace $0x8000004A;
	s7 =	sshll.u32 s5, $0xC  }
0x6: {  	s9 =	ssub.s32 $0x2, s5;
	s5 =	smul.u32 $0x6000, s5;
	s6 =	sor.u32 s7, s6  }
0x7: {  	s30 =	sshrl.u32 s9, $0x1;
	s8 =	sadd.s32 s8, s4;
	s6 =	sshrl.u32 s6, $0x3  }
0x8: {  	s7 =	ssub.s32 s9, s30;
	s31 =	sadd.s32 s5, s8;
	s8 =	simm.s32 $0x80  }
0x9: {  	s9 =	simm.s32 $0x1;
	s6 =	sadd.s32 s6, s4;
	s4 =	smax.u32 s7, $0x1  }
0xa: {  	s7 =	simm.s32 $0x2;
	s5 =	sadd.s32 $0x63C00, s6;
	s6 =	sadd.s32 $0x67C00, s31  }
.LBB2_1:
0xb: {  	s11 =	sadd.s32 $0x0, s5  }
0xc: {  	[tilespmem:s2], [sflag:$0x2] =	stream.linear.gather [hbm4b:s11+s2], $0x80, $0x38;
	[tilespmem:$0x1880] =	vst v63  }
0xd: {  	_ =	swait.ge [sflag:s7], $0x80  }
0xe: {  	[sflag:s7] =	ssyncset.done $0x0  }
0xf: {  	[sflag:s7] =	ssyncadd.s32 $0xFFFFFF80  }
0x10: {  	[tilespmem:s8], [sflag:$0x1] =	stream.indirect.gather [hbm4b:s3+s8], $0x30, s2, s8, $0xb8;
	[tilespmem:$0x1880] =	vst v63  }
0x11: {  	_ =	swait.ge [sflag:s9], $0x1800  }
0x12: {  	[sflag:s9] =	ssyncset.done $0x0  }
0x13: {  	[sflag:s9] =	ssyncadd.s32 $0xFFFFE800  }
0x14: {  	[hbm4b:s6+s2] =	stream.linear.scatter [tilespmem:s8], [sflag:$0x2], $0x1800, $0x38;
	[tilespmem:$0x1880] =	vst v63  }
0x15: {  	s12 =	simm.s32 $0x10;
	_ =	swait.ge [sflag:s7], $0x1800  }
0x16: {  	s13 =	simm.s32 $0x20;
	s11 =	sadd.s32 $0x300, s6;
	[sflag:s7] =	ssyncset.done $0x0  }
.LBB2_2:
0x17: {  	s14 =	sadd.s32 s12, s5  }
0x18: {  	[sflag:s7] =	ssyncadd.s32 $0xFFFFE800;
	s12 =	smov.u32 s13;
	s15 =	sadd.s32 $0x10, s13  }
0x19: {  	[tilespmem:s2], [sflag:$0x2] =	stream.linear.gather [hbm4b:s14+s2], $0x80, $0x38;
	[tilespmem:$0x1880] =	vst v63  }
0x1a: {  	p0 =	sne.s32 s13, $0x1F0;
	_ =	swait.ge [sflag:s7], $0x80  }
0x1b: {  	[sflag:s7] =	ssyncset.done $0x0  }
0x1c: {  	[sflag:s7] =	ssyncadd.s32 $0xFFFFFF80  }
0x1d: {  	[tilespmem:s8], [sflag:$0x1] =	stream.indirect.gather [hbm4b:s3+s8], $0x30, s2, s8, $0xb8;
	[tilespmem:$0x1880] =	vst v63  }
0x1e: {  	_ =	swait.ge [sflag:s9], $0x1800  }
.Ltmp0:
0x1f: {  	[sflag:s9] =	ssyncset.done $0x0;
	(pc) =	sbr.rel @p0 .LBB2_2-.Ltmp0, $4  }
0x20: {  	[sflag:s9] =	ssyncadd.s32 $0xFFFFE800  }
0x21: {  	[hbm4b:s11+s2] =	stream.linear.scatter [tilespmem:s8], [sflag:$0x2], $0x1800, $0x38;
	[tilespmem:$0x1880] =	vst v63  }
0x22: {  	_ =	swait.ge [sflag:s7], $0x1800  }
0x23: {  	s13 =	smov.u32 s15;
	s11 =	sadd.s32 $0x300, s11;
	[sflag:s7] =	ssyncset.done $0x0  }
0x24: {  	s12 =	sadd.s32 s12, s5;
	[sflag:s7] =	ssyncadd.s32 $0xFFFFE800  }
0x25: {  	[tilespmem:s2], [sflag:$0x2] =	stream.linear.gather [hbm4b:s12+s2], $0x80, $0x38;
	[tilespmem:$0x1880] =	vst v63  }
0x26: {  	_ =	swait.ge [sflag:s7], $0x80  }
0x27: {  	[sflag:s7] =	ssyncset.done $0x0  }
0x28: {  	[sflag:s7] =	ssyncadd.s32 $0xFFFFFF80  }
0x29: {  	[tilespmem:s8], [sflag:$0x1] =	stream.indirect.gather [hbm4b:s3+s8], $0x30, s2, s8, $0xb8;
	[tilespmem:$0x1880] =	vst v63  }
0x2a: {  	s10 =	sadd.s32 $0x1, s10;
	_ =	swait.ge [sflag:s9], $0x1800  }
0x2b: {  	p0 =	sne.s32 s10, s4;
	[sflag:s9] =	ssyncset.done $0x0  }
.Ltmp1:
0x2c: {  	[sflag:s9] =	ssyncadd.s32 $0xFFFFE800;
	(pc) =	sbr.rel @p0 .LBB2_1-.Ltmp1, $4  }
0x2d: {  	[hbm4b:s11+s2] =	stream.linear.scatter [tilespmem:s8], [sflag:$0x2], $0x1800, $0x38;
	[tilespmem:$0x1880] =	vst v63  }
0x2e: {  	_ =	swait.ge [sflag:s7], $0x1800  }
0x2f: {  	[sflag:s7] =	ssyncset.done $0x0  }
0x30: {  	[sflag:s7] =	ssyncadd.s32 $0xFFFFE800  }
0x31: {  	_ =	sfence.sel $0x180000  }
0x32: {  	[bflag:$0x0] =	sbarrier.arrive $0xFFFF  }
0x33: {  	p0 =	sne.s32 s1, $0x0;
	_ =	strace $0x9000004A  }
0x34: {  	s0 =	sadd.s32 @!p0 $0x100000, s0;
	[bflag:$0x2] =	sbarrier.arrive $0xFFFF  }
0x35: {  	[sflag:s0] =	ssyncadd.tile.s32 @!p0 $0x1;
	_ =	shalt  }
.Lfunc_end2:
_tile_overlayer_lowered:
.L_overlay_start_2:
0x36: {  	(tag) =	ssettag $0x2  }
0x37: {  	s0 =	rddreg [dreg:$0x0];
	s2 =	stileid.u32  }
0x38: {  	s1 =	rddreg [dreg:$0x1];
	p0 =	sne.s32 s2, $0x0  }
0x39: {  	s3 =	rddreg [dreg:$0x2];
	[bflag:$0x3] =	sbarrier.arrive $0xFFFF;
	s2 =	simm.s32 @!p0 $0x1C02  }
0x3a: {  	[timem:s3], [sflag:s2] =	dma.local @!p0 [hbm:s0], s1  }
0x3b: {  	s0 =	simm.s32 @!p0 $0x2  }
0x3c: {  	_ =	swait.ge @!p0 [sflag:s0], s1  }
0x3d: {  	s1 =	ssub.s32 @!p0 $0x0, s1;
	[sflag:s0] =	ssyncset.done @!p0 $0x0  }
0x3e: {  	[sflag:s0] =	ssyncadd.s32 @!p0 s1  }
0x3f: {  	[bflag:$0x3] =	sbarrier.arrive $0xFFFF  }
0x40: {  	_ =	shalt  }

// kernel: kernel.7.cloned.1.call-start
scs
__scs_entry_jumppad:
0x0: {  	(pc) =	sbr.rel $0x88, $3  }
0x1: {  	(tag) =	ssettag $0x0;
	lr =	simm.s32 $0x1  }
0x2: {  	[smem:$0x3F8D] =	sst lr;
	_ =	strace $0xD0000000  }
0x3: {  	_ = 	snop  }
0x4: {  	_ = 	snop  }
0x5: {  	_ = 	snop  }
0x6: {  	_ = 	snop  }
0x7: {  	_ = 	snop  }
__scs_overlays_trampoline_lowered:
0x8: {  	[smem:$0x3F9C] =	sst s0  }
0x9: {  	[smem:$0x3F9D] =	sst s1  }
0xa: {  	[smem:$0x3F9E] =	sst s2  }
0xb: {  	[smem:$0x3F9F] =	sst s3  }
0xc: {  	[smem:$0x3FA0] =	sst s4  }
0xd: {  	[smem:$0x3FA1] =	sst s5  }
0xe: {  	[smem:$0x3FA2] =	sst s6  }
0xf: {  	[smem:$0x3FA3] =	sst s7  }
0x10: {  	[smem:$0x3FA4] =	sst s8  }
0x11: {  	[smem:$0x3FA5] =	sst s9;
	s0 =	simm.s32 @!p0 $0x0  }
0x12: {  	s1 =	sld [smem:$0x3F8B];
	s0 =	simm.s32 @p0 $0x1  }
0x13: {  	[smem:$0x3FA6] =	sst s0;
	s0 =	simm.s32 @!p1 $0x0  }
0x14: {  	s2 =	sld [smem:$0x3F8A];
	s0 =	simm.s32 @p1 $0x1  }
0x15: {  	[smem:$0x3FA7] =	sst s0;
	s0 =	simm.s32 @!p2 $0x0  }
0x16: {  	s3 =	sld [smem:$0x3FDB];
	s0 =	simm.s32 @p2 $0x1  }
0x17: {  	s4 =	simm.s32 $0x1BF5;
	[smem:$0x3FA9] =	sst s0  }
0x18: {  	s0 =	sld [smem:$0x3F8C];
	_ =	swait.ge [sflag:s4], $0x0  }
0x19: {  	s7 =	sld [smem:$0x3F8D]  }
0x1a: {  	s8 =	sadd.s32 $0xFFFFE003, lr  }
0x1b: {  	s9 =	sadd.s32 $0xFFFFFEF7, lr;
	s5 =	simm.s32 $0xFFFFFFFF;
	p2 =	slt.u32 s8, $0xFFFFF086  }
0x1c: {  	p1 =	slt.u32 s9, $0xF7A;
	s5 =	simm.s32 @!p2 $0x0  }
0x1d: {  	s5 =	simm.s32 @p1 $0x1;
	p0 =	seq.s32 s7, s2  }
0x1e: {  	s7 =	smul.u32 @!p0 $0xF7A, s2;
	p2 =	seq.s32 @!p0 s5, $0x0  }
0x1f: {  	s9 =	smul.u32 $0xF7A, s1;
	s8 =	simm.s32 @!p0 $0x1BF5;
	p2 =	por !p2, p0  }
0x20: {  	[sflag:s8] =	ssyncset.s32 @!p0 $0xFFFFF086;
	s6 =	sadd.s32 @!p0 s3, s7;
	s7 =	simm.s32 @!p0 $0x108  }
0x21: {  	s3 =	sadd.s32 s3, s9;
	s6 =	sadd.s32 @!p0 $0x88, s6;
	s7 =	simm.s32 @p2 $0x1082  }
0x22: {  	[simem:s7], [sflag:s8] =	dma.local @!p0 [hbm:s6], $0xF7A  }
0x23: {  	s9 =	sor.u32 $0xD0000000, s2;
	s6 =	simm.s32 $0x108;
	_ =	swait.ge @!p0 [sflag:s8], $0x0  }
0x24: {  	s3 =	sadd.s32 $0x88, s3;
	s6 =	simm.s32 @!p1 $0x1082;
	[sflag:s4] =	ssyncset.s32 $0xFFFFF086  }
0x25: {  	[simem:s6], [sflag:s4] =	dma.local [hbm:s3], $0xF7A  }
0x26: {  	[smem:$0x3F8D] =	sst s1;
	(tag) =	ssettag s2;
	_ =	strace s9  }
0x27: {  	s1 =	sld [smem:$0x3F9D]  }
0x28: {  	s2 =	sld [smem:$0x3F9E]  }
0x29: {  	s4 =	sld [smem:$0x3FA0]  }
0x2a: {  	p0 =	seq.s32 s5, $0x0;
	s5 =	sld [smem:$0x3FA1]  }
0x2b: {  	s6 =	sld [smem:$0x3FA2]  }
0x2c: {  	s7 =	sld [smem:$0x3FA3]  }
0x2d: {  	s3 =	simm.s32 $0x108;
	s8 =	sld [smem:$0x3FA4]  }
0x2e: {  	s3 =	simm.s32 @!p0 $0x1082;
	s9 =	sld [smem:$0x3FA5]  }
0x2f: {  	lr =	sadd.s32 s0, s3;
	s0 =	sld [smem:$0x3F9C]  }
0x30: {  	s3 =	sld [smem:$0x3F9F]  }
0x31: {  	[smem:$0x3FA8] =	sst s10  }
0x32: {  	s10 =	sld [smem:$0x3FA6];
	_ =	sdelay $0x3  }
0x33: {  	p0 =	seq.s32 s10, $0x1;
	s10 =	sld [smem:$0x3FA8];
	_ =	sdelay $0x3  }
0x34: {  	[smem:$0x3FA8] =	sst s10  }
0x35: {  	s10 =	sld [smem:$0x3FA7];
	_ =	sdelay $0x3  }
0x36: {  	p1 =	seq.s32 s10, $0x1;
	s10 =	sld [smem:$0x3FA8];
	_ =	sdelay $0x3  }
0x37: {  	[smem:$0x3FA8] =	sst s10  }
0x38: {  	s10 =	sld [smem:$0x3FA9]  }
0x39: {  	_ = 	snop;
	(pc) =	sbr.ind lr, $3  }
0x3a: {  	_ = 	snop  }
0x3b: {  	_ = 	snop  }
0x3c: {  	p2 =	seq.s32 s10, $0x1;
	s10 =	sld [smem:$0x3FA8]  }
0x3d: {  	_ =	shalt  }
0x3e: {  	_ =	shalt  }
0x3f: {  	_ =	shalt  }
0x40: {  	_ =	shalt  }
0x41: {  	_ =	shalt  }
0x42: {  	_ =	shalt  }
0x43: {  	_ =	shalt  }
0x44: {  	_ =	shalt  }
0x45: {  	_ =	shalt  }
0x46: {  	_ =	shalt  }
0x47: {  	_ =	shalt  }
0x48: {  	_ =	shalt  }
0x49: {  	_ =	shalt  }
0x4a: {  	_ =	shalt  }
0x4b: {  	_ =	shalt  }
0x4c: {  	_ =	shalt  }
0x4d: {  	_ =	shalt  }
0x4e: {  	_ =	shalt  }
0x4f: {  	_ =	shalt  }
0x50: {  	_ =	shalt  }
0x51: {  	_ =	shalt  }
0x52: {  	_ =	shalt  }
0x53: {  	_ =	shalt  }
0x54: {  	_ =	shalt  }
0x55: {  	_ =	shalt  }
0x56: {  	_ =	shalt  }
0x57: {  	_ =	shalt  }
0x58: {  	_ =	shalt  }
0x59: {  	_ =	shalt  }
0x5a: {  	_ =	shalt  }
0x5b: {  	_ =	shalt  }
0x5c: {  	_ =	shalt  }
0x5d: {  	_ =	shalt  }
0x5e: {  	_ =	shalt  }
0x5f: {  	_ =	shalt  }
0x60: {  	_ =	shalt  }
0x61: {  	_ =	shalt  }
0x62: {  	_ =	shalt  }
0x63: {  	_ =	shalt  }
0x64: {  	_ =	shalt  }
0x65: {  	_ =	shalt  }
0x66: {  	_ =	shalt  }
0x67: {  	_ =	shalt  }
0x68: {  	_ =	shalt  }
0x69: {  	_ =	shalt  }
0x6a: {  	_ =	shalt  }
0x6b: {  	_ =	shalt  }
0x6c: {  	_ =	shalt  }
0x6d: {  	_ =	shalt  }
0x6e: {  	_ =	shalt  }
0x6f: {  	_ =	shalt  }
0x70: {  	_ =	shalt  }
0x71: {  	_ =	shalt  }
0x72: {  	_ =	shalt  }
0x73: {  	_ =	shalt  }
0x74: {  	_ =	shalt  }
0x75: {  	_ =	shalt  }
0x76: {  	_ =	shalt  }
0x77: {  	_ =	shalt  }
0x78: {  	_ =	shalt  }
0x79: {  	_ =	shalt  }
0x7a: {  	_ =	shalt  }
0x7b: {  	_ =	shalt  }
0x7c: {  	_ =	shalt  }
0x7d: {  	_ =	shalt  }
0x7e: {  	_ =	shalt  }
0x7f: {  	_ =	shalt  }
0x80: {  	_ =	shalt  }
0x81: {  	_ =	shalt  }
0x82: {  	_ =	shalt  }
0x83: {  	_ =	shalt  }
0x84: {  	_ =	shalt  }
0x85: {  	_ =	shalt  }
0x86: {  	_ =	shalt  }
0x87: {  	_ =	shalt  }
.Lfunc_end0:
.L_simem_size_0:
called_computation_lowered:
.L_overlay_start_0:
0x88: {  	s2 =	sld [smem:$0x3FD9]  }
0x89: {  	s3 =	sld [smem:$0x3FFE];
	_ =	sdelay $0x1  }
0x8a: {  	s1 =	srdreg.scid  }
0x8b: {  	s0 =	sand.u32 $0x1, s1  }
0x8c: {  	s14 =	sshll.u32 s0, $0xA;
	s2 =	sadd.s32 s3, s2  }
0x8d: {  	s2 =	sadd.s32 s2, s14  }
0x8e: {  	[smem:$0x3FB4] =	sst s2  }
0x8f: {  	_ = 	snop  }
0x90: {  	s2 =	sld [smem:$0x3FD0];
	_ =	sdelay $0x2  }
0x91: {  	s15 =	simm.s32 $0xA;
	s4 =	simm.s32 $0x10  }
0x92: {  	[smem:s4], [sflag:s15] =	dma.local [hbm:s2], $0x1  }
0x93: {  	_ =	swait.eq [sflag:s15], $0x1  }
0x94: {  	[sflag:s15] =	ssyncset.done $0x0  }
0x95: {  	[sflag:s15] =	ssyncadd.s32 $0xFFFFFFFF  }
0x96: {  	s16 =	sld [smem:$0x12];
	(tm) =	ssettm $0x1  }
0x97: {  	s17 =	sld [smem:$0x3FFB];
	_ =	sdelay $0x3  }
0x98: {  	_ =	strace s17  }
0x99: {  	s3 =	sld [smem:$0x3FFC];
	_ =	sdelay $0x3  }
0x9a: {  	_ =	strace s3  }
0x9b: {  	s3 =	sld [smem:$0x3FFD];
	_ =	sdelay $0x3  }
0x9c: {  	_ =	strace s3  }
0x9d: {  	_ =	strace $0x8FFFFFFF  }
0x9e: {  	s18 =	sld [smem:$0x3FDB];
	_ =	sdelay $0x1  }
0x9f: {  	s19 =	simm.s32 $_scs_section_size  }
0xa0: {  	s5 =	simm.s32 $_size__tile_overlayer_lowered;
	s6 =	simm.s32 $_tile_overlayer_lowered  }
0xa1: {  	s22 =	simm.s32 $0x1BFF;
	s21 =	sshll.u32 s6, $0x1;
	s3 =	sadd.s32 s19, s18  }
0xa2: {  	s7 =	simm.s32 $0x0;
	s20 =	sshll.u32 s5, $0x1;
	s5 =	sadd.s32 s21, s3  }
0xa3: {  	[timem:s7], [sflag:s22] =	dma.local [hbm:s5], s20  }
0xa4: {  	_ =	swait.ge [sflag:s22], s20  }
0xa5: {  	s4 =	ssub.s32 $0x0, s20;
	[sflag:s22] =	ssyncset.done $0x0  }
0xa6: {  	[sflag:s22] =	ssyncadd.s32 s4;
	_ =	sdelay $0x1  }
0xa7: {  	s23 =	simm.s32 $0x1B8B  }
0xa8: {  	_ =	swait.ge [sflag:s23], $0x1  }
0xa9: {  	[sflag:s23] =	ssyncset.done $0x0  }
0xaa: {  	s25 =	simm.s32 $0x1B8E;
	s24 =	sld [smem:$0x3FFE];
	[sflag:s23] =	ssyncadd.s32 $0xFFFFFFFF  }
0xab: {  	s26 =	simm.s32 $execute0_lowered;
	[smem:$0x3FD2] =	sst s25  }
0xac: {  	s5 =	sshll.u32 s26, $0x1;
	_ =	strace $0x80000046;
	[dreg:$0x1] =	wrdreg $0xFFFFFFFF  }
0xad: {  	s28 =	simm.s32 $_size_execute0_lowered;
	s3 =	sadd.s32 s3, s5;
	[dreg:$0x0] =	wrdreg $0x0  }
0xae: {  	s5 =	sshll.u32 s28, $0x1;
	[dreg:$0x2] =	wrdreg s3  }
0xaf: {  	[dreg:$0x3] =	wrdreg s5  }
0xb0: {  	[dreg:$0x4] =	wrdreg $0xC0  }
0xb1: {  	_ =	task [dreg:s7], $0x5FFFF  }
0xb2: {  	[dreg:$0x1] =	wrdreg $0xFFFFFFFF  }
0xb3: {  	[dreg:$0x0] =	wrdreg $0x60  }
0xb4: {  	[dreg:$0x2] =	wrdreg s24  }
0xb5: {  	[dreg:$0x3] =	wrdreg s16  }
0xb6: {  	[dreg:$0x4] =	wrdreg $0x9  }
0xb7: {  	_ =	task.clear_ibuf [dreg:s7], $0x5FFFF;
	_ =	strace $0x90000046  }
0xb8: {  	s29 =	simm.s32 $0x9;
	_ =	strace $0x80000048  }
0xb9: {  	_ =	swait.ge [sflag:s29], $0x1  }
0xba: {  	[sflag:s29] =	ssyncadd.s32 $0xFFFFFFFF  }
0xbb: {  	_ =	strace $0x90000048  }
0xbc: {  	_ =	sfence  }
0xbd: {  	s30 =	sld [smem:$0x0];
	_ =	sdelay $0x2  }
0xbe: {  	s31 =	sshll.u32 s1, $0xD;
	s1 =	sshrl.u32 s1, $0x2  }
0xbf: {  	s3 =	sand.u32 $0x4000, s31;
	s1 =	sadd.s32 s1, s30  }
0xc0: {  	s0 =	sor.u32 s3, s0;
	s1 =	sshll.u32 s1, $0x11  }
0xc1: {  	s0 =	sor.u32 s1, s0  }
0xc2: {  	s0 =	sadd.s32 $0x8F2B, s0  }
0xc3: {  	[sflag:s0] =	ssyncadd.remote.s32 $0x1  }
0xc4: {  	_ =	sfence.sel $0xFFFF  }
0xc5: {  	[dreg:$0x0] =	wrdreg $0xFFFFFFFF;
	(pc) =	sbr.abs _section_cstart, $3  }
0xc6: {  	[dreg:$0x1] =	wrdreg $0xFFFFFFFF  }
0xc7: {  	_ =	task.clear_ibuf [dreg:s7], $0x2FFFF;
	_ =	strace $0x9FFFFFFF  }
0xc8: {  	(tm) =	ssettm $0x7FFFFFFF  }
0xc9: {  	_ =	shalt  }
tec
execute0_lowered:
.L_overlay_start_1:
0x0: {  	(tag) =	ssettag $0x1  }
0x1: {  	s3 =	rddreg [dreg:$0x0]  }
0x2: {  	s5 =	rddreg [dreg:$0x1]  }
0x3: {  	s0 =	rddreg [dreg:$0x2];
	s1 =	stileid.u32  }
0x4: {  	s4 =	srdreg.scid;
	s2 =	simm.s32 $0x0;
	s6 =	smul.u32 $0x18000, s1  }
0x5: {  	s4 =	sand.u32 $0x1, s4;
	[smem:$0x7FF] =	sst s2;
	s9 =	sshll.u32 s1, $0xE  }
0x6: {  	s7 =	ssub.s32 $0x2, s4;
	_ =	strace $0x80000047;
	s10 =	sshll.u32 s4, $0xD  }
0x7: {  	s11 =	smul.u32 $0xC000, s4;
	s6 =	sadd.s32 s6, s3;
	s8 =	sshrl.u32 s7, $0x1  }
0x8: {  	s3 =	sadd.s32 $0x83C00, s3;
	s31 =	sor.u32 s10, s9;
	s9 =	simm.s32 $0x1  }
0x9: {  	s10 =	simm.s32 $0x0;
	s30 =	ssub.s32 s7, s8;
	s7 =	sshrl.u32 s31, $0x3  }
0xa: {  	s6 =	sadd.s32 s11, s6;
	s8 =	simm.s32 $0x80;
	s4 =	smax.u32 s30, $0x1  }
0xb: {  	s5 =	sadd.s32 s7, s5;
	s6 =	sadd.s32 $0x9BC00, s6;
	s7 =	simm.s32 $0x2  }
.LBB2_1:
0xc: {  	s11 =	sadd.s32 $0x0, s5  }
0xd: {  	[tilespmem:s2], [sflag:$0x2] =	stream.linear.gather [hbm4b:s11+s2], $0x80, $0x38;
	[tilespmem:$0x1880] =	vst v63  }
0xe: {  	_ =	swait.ge [sflag:s7], $0x80  }
0xf: {  	[sflag:s7] =	ssyncset.done $0x0  }
0x10: {  	[sflag:s7] =	ssyncadd.s32 $0xFFFFFF80  }
0x11: {  	[tilespmem:s8], [sflag:$0x1] =	stream.indirect.gather [hbm4b:s3+s8], $0x30, s2, s8, $0xb8;
	[tilespmem:$0x1880] =	vst v63  }
0x12: {  	_ =	swait.ge [sflag:s9], $0x1800  }
0x13: {  	[sflag:s9] =	ssyncset.done $0x0  }
0x14: {  	[sflag:s9] =	ssyncadd.s32 $0xFFFFE800  }
0x15: {  	[hbm4b:s6+s2] =	stream.linear.scatter [tilespmem:s8], [sflag:$0x2], $0x1800, $0x38;
	[tilespmem:$0x1880] =	vst v63  }
0x16: {  	s12 =	simm.s32 $0x10;
	_ =	swait.ge [sflag:s7], $0x1800  }
0x17: {  	s13 =	simm.s32 $0x20;
	s11 =	sadd.s32 $0x300, s6;
	[sflag:s7] =	ssyncset.done $0x0  }
.LBB2_2:
0x18: {  	s14 =	sadd.s32 s12, s5  }
0x19: {  	[sflag:s7] =	ssyncadd.s32 $0xFFFFE800;
	s12 =	smov.u32 s13;
	s15 =	sadd.s32 $0x10, s13  }
0x1a: {  	[tilespmem:s2], [sflag:$0x2] =	stream.linear.gather [hbm4b:s14+s2], $0x80, $0x38;
	[tilespmem:$0x1880] =	vst v63  }
0x1b: {  	p0 =	sne.s32 s13, $0x3F0;
	_ =	swait.ge [sflag:s7], $0x80  }
0x1c: {  	[sflag:s7] =	ssyncset.done $0x0  }
0x1d: {  	[sflag:s7] =	ssyncadd.s32 $0xFFFFFF80  }
0x1e: {  	[tilespmem:s8], [sflag:$0x1] =	stream.indirect.gather [hbm4b:s3+s8], $0x30, s2, s8, $0xb8;
	[tilespmem:$0x1880] =	vst v63  }
0x1f: {  	_ =	swait.ge [sflag:s9], $0x1800  }
.Ltmp0:
0x20: {  	[sflag:s9] =	ssyncset.done $0x0;
	(pc) =	sbr.rel @p0 .LBB2_2-.Ltmp0, $4  }
0x21: {  	[sflag:s9] =	ssyncadd.s32 $0xFFFFE800  }
0x22: {  	[hbm4b:s11+s2] =	stream.linear.scatter [tilespmem:s8], [sflag:$0x2], $0x1800, $0x38;
	[tilespmem:$0x1880] =	vst v63  }
0x23: {  	_ =	swait.ge [sflag:s7], $0x1800  }
0x24: {  	s13 =	smov.u32 s15;
	s11 =	sadd.s32 $0x300, s11;
	[sflag:s7] =	ssyncset.done $0x0  }
0x25: {  	s12 =	sadd.s32 s12, s5;
	[sflag:s7] =	ssyncadd.s32 $0xFFFFE800  }
0x26: {  	[tilespmem:s2], [sflag:$0x2] =	stream.linear.gather [hbm4b:s12+s2], $0x80, $0x38;
	[tilespmem:$0x1880] =	vst v63  }
0x27: {  	_ =	swait.ge [sflag:s7], $0x80  }
0x28: {  	[sflag:s7] =	ssyncset.done $0x0  }
0x29: {  	[sflag:s7] =	ssyncadd.s32 $0xFFFFFF80  }
0x2a: {  	[tilespmem:s8], [sflag:$0x1] =	stream.indirect.gather [hbm4b:s3+s8], $0x30, s2, s8, $0xb8;
	[tilespmem:$0x1880] =	vst v63  }
0x2b: {  	s10 =	sadd.s32 $0x1, s10;
	_ =	swait.ge [sflag:s9], $0x1800  }
0x2c: {  	p0 =	sne.s32 s10, s4;
	[sflag:s9] =	ssyncset.done $0x0  }
.Ltmp1:
0x2d: {  	[sflag:s9] =	ssyncadd.s32 $0xFFFFE800;
	(pc) =	sbr.rel @p0 .LBB2_1-.Ltmp1, $4  }
0x2e: {  	[hbm4b:s11+s2] =	stream.linear.scatter [tilespmem:s8], [sflag:$0x2], $0x1800, $0x38;
	[tilespmem:$0x1880] =	vst v63  }
0x2f: {  	_ =	swait.ge [sflag:s7], $0x1800  }
0x30: {  	[sflag:s7] =	ssyncset.done $0x0  }
0x31: {  	[sflag:s7] =	ssyncadd.s32 $0xFFFFE800  }
0x32: {  	_ =	sfence.sel $0x180000  }
0x33: {  	[bflag:$0x0] =	sbarrier.arrive $0xFFFF  }
0x34: {  	p0 =	sne.s32 s1, $0x0;
	_ =	strace $0x90000047  }
0x35: {  	s0 =	sadd.s32 @!p0 $0x100000, s0;
	[bflag:$0x2] =	sbarrier.arrive $0xFFFF  }
0x36: {  	[sflag:s0] =	ssyncadd.tile.s32 @!p0 $0x1;
	_ =	shalt  }
.Lfunc_end2:
_tile_overlayer_lowered:
.L_overlay_start_2:
0x37: {  	(tag) =	ssettag $0x2  }
0x38: {  	s0 =	rddreg [dreg:$0x0];
	s2 =	stileid.u32  }
0x39: {  	s1 =	rddreg [dreg:$0x1];
	p0 =	sne.s32 s2, $0x0  }
0x3a: {  	s3 =	rddreg [dreg:$0x2];
	[bflag:$0x3] =	sbarrier.arrive $0xFFFF;
	s2 =	simm.s32 @!p0 $0x1C02  }
0x3b: {  	[timem:s3], [sflag:s2] =	dma.local @!p0 [hbm:s0], s1  }
0x3c: {  	s0 =	simm.s32 @!p0 $0x2  }
0x3d: {  	_ =	swait.ge @!p0 [sflag:s0], s1  }
0x3e: {  	s1 =	ssub.s32 @!p0 $0x0, s1;
	[sflag:s0] =	ssyncset.done @!p0 $0x0  }
0x3f: {  	[sflag:s0] =	ssyncadd.s32 @!p0 s1  }
0x40: {  	[bflag:$0x3] =	sbarrier.arrive $0xFFFF  }
0x41: {  	_ =	shalt  }

</sc_bundles>
